<compile_context>
chip_gen: v7x
topology: tpu7x:2x2x1
jax: 0.10.2.dev20260603
libtpu: 0.0.44.dev20260713+nightly
codegen_flags: <defaults>
</compile_context>

<pallas_src>
import functools

import jax
import jax.numpy as jnp
from jax import lax
from jax.experimental import pallas as pl
from jax.experimental.pallas import tpu as pltpu
from jax.experimental.pallas import tpu_sc as plsc

N = 100000
D = 128
B = 512
T_OUT = 128
L = 16
NC = 2
NS = 16
NW = NC * NS
CHUNK = 120
SUM_BASE_LO = 3120
SUM_FULL = SUM_BASE_LO // CHUNK
QPT = 1024 // NW
SEG_ROWS = B // NS
SRCH_ROUNDS = 17


def _sc_stage(batch_emb, segment_ids, t0, t1):
    mesh = plsc.VectorSubcoreMesh(core_axis_name="c", subcore_axis_name="s")

    @functools.partial(
        pl.kernel,
        mesh=mesh,
        out_type=[
            jax.ShapeDtypeStruct((NC, B, D), jnp.float32),
            jax.ShapeDtypeStruct((NC * B,), jnp.float32),
            jax.ShapeDtypeStruct((2 * B, D), jnp.float32),
        ],
        scratch_types=[
            pltpu.VMEM_SHARED((B, D), jnp.float32),
            pltpu.VMEM((CHUNK, D), jnp.float32),
            pltpu.VMEM((CHUNK, D), jnp.float32),
            pltpu.VMEM((CHUNK,), jnp.int32),
            pltpu.VMEM((CHUNK,), jnp.int32),
            pltpu.VMEM((8,), jnp.int32),
            pltpu.VMEM((SEG_ROWS, D), jnp.float32),
            pltpu.VMEM((4 * L,), jnp.int32),
            pltpu.VMEM((4 * L,), jnp.int32),
            pltpu.VMEM((QPT,), jnp.int32),
            pltpu.VMEM((QPT, D), jnp.float32),
            pltpu.VMEM((QPT,), jnp.int32),
            pltpu.VMEM((QPT,), jnp.float32),
            pltpu.SemaphoreType.DMA,
            pltpu.SemaphoreType.DMA,
            pltpu.SemaphoreType.DMA,
        ],
    )
    def sc_kernel(emb_hbm, ids_hbm, t0_hbm, t1_hbm,
                  psums_hbm, inv_hbm, e01_hbm,
                  sums_sh,
                  rbufA, rbufB, ibufA, ibufB, ibuf8, zrows,
                  midbuf, valbuf, gidx_v, grow_v, tg_s, inv_b,
                  semA, semB, semG):
        cid = lax.axis_index("c")
        sid = lax.axis_index("s")
        wid = cid * NS + sid

        zv = jnp.zeros((L,), jnp.float32)

        def zfill(i, _):
            r = i // (D // L)
            k = i % (D // L)
            zrows[r, pl.ds(k * L, L)] = zv
            return 0

        lax.fori_loop(0, SEG_ROWS * (D // L), zfill, 0)
        pltpu.sync_copy(zrows, sums_sh.at[pl.ds(sid * SEG_ROWS, SEG_ROWS)])
        plsc.subcore_barrier()

        row_base = SUM_BASE_LO * wid + 8 * jnp.minimum(wid, 20)

        def loads_start(rb, ib, c, sem):
            off = row_base + c * CHUNK
            pltpu.make_async_copy(ids_hbm.at[pl.ds(off, CHUNK)], ib,
                                  sem).start()
            pltpu.make_async_copy(emb_hbm.at[pl.ds(off, CHUNK), :], rb,
                                  sem).start()

        def loads_wait(rb, ib, sem):
            pltpu.make_async_copy(ids_hbm.at[pl.ds(0, CHUNK)], ib,
                                  sem).wait()
            pltpu.make_async_copy(emb_hbm.at[pl.ds(0, CHUNK), :], rb,
                                  sem).wait()

        loads_start(rbufA, ibufA, 0, semA)
        loads_start(rbufB, ibufB, 1, semB)

        def pair(g, _):
            c0 = 2 * g
            loads_wait(rbufA, ibufA, semA)
            pltpu.sync_copy(rbufA, sums_sh.at[ibufA], add=True)

            @pl.when(c0 + 2 < SUM_FULL)
            def _():
                loads_start(rbufA, ibufA, c0 + 2, semA)

            loads_wait(rbufB, ibufB, semB)
            pltpu.sync_copy(rbufB, sums_sh.at[ibufB], add=True)

            @pl.when(c0 + 3 < SUM_FULL)
            def _():
                loads_start(rbufB, ibufB, c0 + 3, semB)

            return 0

        lax.fori_loop(0, SUM_FULL // 2, pair, 0)

        @pl.when(wid < 20)
        def _():
            off = row_base + SUM_BASE_LO
            pltpu.sync_copy(ids_hbm.at[pl.ds(off, 8)], ibuf8)
            pltpu.sync_copy(emb_hbm.at[pl.ds(off, 8), :],
                            rbufA.at[pl.ds(0, 8), :])
            pltpu.sync_copy(rbufA.at[pl.ds(0, 8), :], sums_sh.at[ibuf8],
                            add=True)

        qbase = wid * QPT
        col = qbase // B
        i0 = qbase - col * B
        lanes = lax.iota(jnp.int32, L)
        tgts = [i0 + lanes, i0 + L + lanes,
                i0 + 1 + lanes, i0 + L + 1 + lanes]

        def srch(r, carry):
            los, his = carry
            for k in range(4):
                mid = lax.shift_right_arithmetic(los[k] + his[k], 1)
                midbuf[pl.ds(k * L, L)] = mid
            pltpu.async_copy(ids_hbm.at[midbuf], valbuf, semG).wait()
            nlos, nhis = [], []
            for k in range(4):
                mid = lax.shift_right_arithmetic(los[k] + his[k], 1)
                v = valbuf[pl.ds(k * L, L)]
                cond = v < tgts[k]
                nlos.append(jnp.where(cond, mid + 1, los[k]))
                nhis.append(jnp.where(cond, his[k], mid))
            return tuple(nlos), tuple(nhis)

        zero_v = jnp.zeros((L,), jnp.int32)
        n_v = jnp.full((L,), N, jnp.int32)
        los, _ = lax.fori_loop(
            0, SRCH_ROUNDS, srch,
            ((zero_v, zero_v, zero_v, zero_v), (n_v, n_v, n_v, n_v)))
        starts = [los[0], los[1]]
        cnts = [los[2] - los[0], los[3] - los[1]]

        @pl.when(col == 0)
        def _():
            pltpu.sync_copy(t0_hbm.at[pl.ds(i0, QPT)], tg_s)

        @pl.when(col == 1)
        def _():
            pltpu.sync_copy(t1_hbm.at[pl.ds(i0, QPT)], tg_s)

        for k in range(2):
            sl = pl.ds(k * L, L)
            tv = tg_s[sl]
            safe = jnp.maximum(cnts[k], 1)
            loc = jnp.minimum(tv, safe - 1)
            g = starts[k] + loc
            g = jnp.minimum(jnp.maximum(g, 0), N - 1)
            gidx_v[sl] = g
            inv_b[sl] = jnp.float32(1.0) / safe.astype(jnp.float32)

        pltpu.async_copy(emb_hbm.at[gidx_v], grow_v, semG).wait()
        pltpu.sync_copy(grow_v, e01_hbm.at[pl.ds(qbase, QPT), :])
        pltpu.sync_copy(inv_b, inv_hbm.at[pl.ds(cid * B + i0, QPT)])

        plsc.subcore_barrier()
        pltpu.sync_copy(sums_sh.at[pl.ds(sid * SEG_ROWS, SEG_ROWS)],
                        rbufA.at[pl.ds(0, SEG_ROWS), :])
        pltpu.sync_copy(rbufA.at[pl.ds(0, SEG_ROWS), :],
                        psums_hbm.at[cid, pl.ds(sid * SEG_ROWS, SEG_ROWS), :])

    return sc_kernel(batch_emb, segment_ids, t0, t1)


def _tc_body(psums_ref, invc_ref, e01_ref, w_ref, b_ref, out_ref):
    p = psums_ref[0] + psums_ref[1]
    avg = p * invc_ref[...]
    e0 = e01_ref[pl.ds(0, B), :]
    e1 = e01_ref[pl.ds(B, B), :]
    acc = jnp.dot(e0, w_ref[pl.ds(0, D), :], preferred_element_type=jnp.float32)
    acc += jnp.dot(e1, w_ref[pl.ds(D, D), :], preferred_element_type=jnp.float32)
    acc += jnp.dot(avg, w_ref[pl.ds(2 * D, D), :],
                   preferred_element_type=jnp.float32)
    out_ref[...] = acc + b_ref[...]


@jax.jit
def kernel(batch_emb, segment_ids, targets, W, b):
    t0 = targets[:, 0]
    t1 = targets[:, 1]
    psums, inv, e01 = _sc_stage(batch_emb, segment_ids, t0, t1)
    inv_col = inv[:B][:, None]
    b_row = b[None, :]
    out = pl.pallas_call(
        _tc_body,
        out_shape=jax.ShapeDtypeStruct((B, T_OUT), jnp.float32),
    )(psums, inv_col, e01, W, b_row)
    return out

# --- scband reference (transcript-rebuilt; emitter-appended) ---
"""Pipeline reference for scband-decoder-v1-19267223290699 (READ-ONLY COPY).

The authoritative reference and input builder live on the scoring server;
editing this copy changes nothing except your own understanding.
"""

import jax, jax.numpy as jnp
import numpy as np


def setup_inputs(seed: int = 0) -> dict:
    key = jax.random.key(seed)
    k1, k2, k3, k4 = jax.random.split(key, 4)
    N, D, B, T = 100000, 128, 512, 128
    batch_emb = jax.random.normal(k1, (N, D), dtype=jnp.float32)
    segment_ids = jnp.sort(jax.random.randint(k2, (N,), 0, B, dtype=jnp.int32))
    targets = jax.random.randint(k3, (B, 2), 0, 8, dtype=jnp.int32)
    W = jax.random.normal(k4, (3 * D, T), dtype=jnp.float32) * 0.05
    b = jnp.zeros((T,), dtype=jnp.float32)
    return {"batch_emb": batch_emb, "segment_ids": segment_ids, "targets": targets, "W": W, "b": b}


def reference(batch_emb, segment_ids, targets, W, b):
    # Vectorized translation of DecoderV1.forward: the torch per-graph python loop
    # (mask -> mean, gather two query nodes, concat, scatter-write into final_embs)
    # becomes segment_sum for means and offset-based gathers; the scatter-overwrite
    # into final_embs row `index` is the concat itself since every row is written once.
    B = targets.shape[0]
    N = batch_emb.shape[0]
    ones = jnp.ones((N,), dtype=jnp.int32)
    counts = jax.ops.segment_sum(ones, segment_ids, num_segments=B)
    sums = jax.ops.segment_sum(batch_emb, segment_ids, num_segments=B)
    safe_counts = jnp.maximum(counts, 1)
    node_avg = sums / safe_counts[:, None].astype(batch_emb.dtype)
    # start offset of each graph in the flat node array (segment_ids is sorted)
    starts = jnp.cumsum(counts) - counts
    # local query indices -> global indices (clamped to stay inside each graph)
    loc = jnp.minimum(targets, (safe_counts - 1)[:, None])
    gidx = starts[:, None] + loc
    e0 = jnp.take(batch_emb, gidx[:, 0], axis=0)
    e1 = jnp.take(batch_emb, gidx[:, 1], axis=0)
    final_embs = jnp.concatenate([e0, e1, node_avg], axis=1)
    return final_embs @ W + b

if __name__ == "__main__":
    import jax
    _d = setup_inputs()
    print(jax.jit(kernel)(*tuple(_d.values())))

</pallas_src>

<mosaic_0001>
#map = affine_map<(d0, d1) -> (0, 0)>
#map1 = affine_map<(d0, d1) -> (0)>
#map2 = affine_map<(d0, d1) -> (0, 0, 0)>
module attributes {stable_mosaic.version = 14 : i64} {
  func.func @sc_kernel(%arg0: i32, %arg1: i32, %arg2: memref<100000x128xf32, #tpu.memory_space<hbm>>, %arg3: memref<100000xi32, #tpu.memory_space<hbm>>, %arg4: memref<512xi32, #tpu.memory_space<hbm>>, %arg5: memref<512xi32, #tpu.memory_space<hbm>>, %arg6: memref<2x512x128xf32, #tpu.memory_space<hbm>>, %arg7: memref<1024xf32, #tpu.memory_space<hbm>>, %arg8: memref<1024x128xf32, #tpu.memory_space<hbm>>, %arg9: memref<512x128xf32, #tpu.memory_space<vmem_shared>>, %arg10: memref<120x128xf32, #tpu.memory_space<vmem>>, %arg11: memref<120x128xf32, #tpu.memory_space<vmem>>, %arg12: memref<120xi32, #tpu.memory_space<vmem>>, %arg13: memref<120xi32, #tpu.memory_space<vmem>>, %arg14: memref<8xi32, #tpu.memory_space<vmem>>, %arg15: memref<32x128xf32, #tpu.memory_space<vmem>>, %arg16: memref<64xi32, #tpu.memory_space<vmem>>, %arg17: memref<64xi32, #tpu.memory_space<vmem>>, %arg18: memref<32xi32, #tpu.memory_space<vmem>>, %arg19: memref<32x128xf32, #tpu.memory_space<vmem>>, %arg20: memref<32xi32, #tpu.memory_space<vmem>>, %arg21: memref<32xf32, #tpu.memory_space<vmem>>, %arg22: memref<!tpu.dma_semaphore, #tpu.memory_space<semaphore_mem>>, %arg23: memref<!tpu.dma_semaphore, #tpu.memory_space<semaphore_mem>>, %arg24: memref<!tpu.dma_semaphore, #tpu.memory_space<semaphore_mem>>) attributes {dimension_semantics = [#tpu.dimension_semantics<core_parallel>, #tpu.dimension_semantics<subcore_parallel>], iteration_bounds = array<i64: 2, 16>, scalar_prefetch = 0 : i64, scratch_operands = 16 : i64, tpu.core_type = #tpu.core_type<sc_vector_subcore>, window_params = [{transform_indices = #map}, {transform_indices = #map1}, {transform_indices = #map1}, {transform_indices = #map1}, {transform_indices = #map2}, {transform_indices = #map1}, {transform_indices = #map}]} {
    %mul3A = arith.constant 16 : i32
    %mul3A_0 = arith.muli %arg0, %mul3A : i32
    %add3A = arith.addi %mul3A_0, %arg1 : i32
    %broadcast_in_dim3A = arith.constant 0.000000e+00 : f32
    %broadcast_in_dim3A_1 = vector.broadcast %broadcast_in_dim3A : f32 to vector<16xf32>
    %scan3A = arith.constant 0 : i32
    %scan3A_2 = arith.constant 0 : i32
    %scan3A_3 = arith.constant 256 : i32
    %scan3A_4 = arith.addi %scan3A_2, %scan3A_3 : i32
    %scan3A_5 = arith.constant 1 : i32
    %scan3A_6 = scf.for %scan3A_166 = %scan3A_2 to %scan3A_4 step %scan3A_5 iter_args(%scan3A_167 = %scan3A) -> (i32)  : i32 {
      %jit3A_168 = arith.constant 8 : i32
      %div3A_169 = arith.divsi %scan3A_166, %jit3A_168 : i32
      %sign3A_170 = arith.constant 0 : i32
      %sign3A_171 = arith.cmpi sgt, %scan3A_166, %sign3A_170 : i32
      %sign3A_172 = arith.extui %sign3A_171 : i1 to i32
      %sign3A_173 = arith.constant 0 : i32
      %sign3A_174 = arith.cmpi slt, %scan3A_166, %sign3A_173 : i32
      %sign3A_175 = arith.extui %sign3A_174 : i1 to i32
      %sign3A_176 = arith.subi %sign3A_172, %sign3A_175 : i32
      %sign3A_177 = arith.constant 0 : i32
      %sign3A_178 = arith.cmpi sgt, %jit3A_168, %sign3A_177 : i32
      %sign3A_179 = arith.extui %sign3A_178 : i1 to i32
      %sign3A_180 = arith.constant 0 : i32
      %sign3A_181 = arith.cmpi slt, %jit3A_168, %sign3A_180 : i32
      %sign3A_182 = arith.extui %sign3A_181 : i1 to i32
      %sign3A_183 = arith.subi %sign3A_179, %sign3A_182 : i32
      %ne3A_184 = arith.cmpi ne, %sign3A_176, %sign3A_183 : i32
      %rem3A_185 = arith.remsi %scan3A_166, %jit3A_168 : i32
      %ne3A_186 = arith.constant 0 : i32
      %ne3A_187 = arith.cmpi ne, %rem3A_185, %ne3A_186 : i32
      %and3A_188 = arith.andi %ne3A_184, %ne3A_187 : i1
      %sub3A_189 = arith.constant 1 : i32
      %sub3A_190 = arith.subi %div3A_169, %sub3A_189 : i32
      %select_n3A_191 = arith.select %and3A_188, %sub3A_190, %div3A_169 : i32
      %jit3A_192 = arith.constant 8 : i32
      %eq3A_193 = arith.constant 0 : i32
      %eq3A_194 = arith.cmpi eq, %jit3A_192, %eq3A_193 : i32
      %jit3A_195 = arith.constant 1 : i32
      %select_n3A_196 = arith.select %eq3A_194, %jit3A_195, %jit3A_192 : i32
      %rem3A_197 = arith.remsi %scan3A_166, %select_n3A_196 : i32
      %ne3A_198 = arith.constant 0 : i32
      %ne3A_199 = arith.cmpi ne, %rem3A_197, %ne3A_198 : i32
      %lt3A_200 = arith.constant 0 : i32
      %lt3A_201 = arith.cmpi slt, %rem3A_197, %lt3A_200 : i32
      %lt3A_202 = arith.constant 0 : i32
      %lt3A_203 = arith.cmpi slt, %select_n3A_196, %lt3A_202 : i32
      %ne3A_204 = arith.xori %lt3A_201, %lt3A_203 : i1
      %and3A_205 = arith.andi %ne3A_204, %ne3A_199 : i1
      %add3A_206 = arith.addi %rem3A_197, %select_n3A_196 : i32
      %select_n3A_207 = arith.select %and3A_205, %add3A_206, %rem3A_197 : i32
      %mul3A_208 = arith.constant 16 : i32
      %mul3A_209 = arith.muli %select_n3A_207, %mul3A_208 : i32
      %swap3A_210 = arith.index_cast %select_n3A_191 : i32 to index
      %swap3A_211 = arith.index_cast %mul3A_209 : i32 to index
      %swap3A_212 = tpu.vector_load %arg15[%swap3A_210, %swap3A_211] {strides = array<i32>} : memref<32x128xf32, #tpu.memory_space<vmem>>, vector<1x16xf32>,
      %swap3A_213 = vector.shape_cast %swap3A_212 : vector<1x16xf32> to vector<16xf32>
      %swap3A_214 = vector.shape_cast %broadcast_in_dim3A_1 : vector<16xf32> to vector<1x16xf32>
      tpu.vector_store %arg15[%swap3A_210, %swap3A_211], %swap3A_214 {strides = array<i32>} : memref<32x128xf32, #tpu.memory_space<vmem>>, vector<1x16xf32>,
      %scan3A_215 = arith.constant 0 : i32
      scf.yield %scan3A_215 : i32
    }
    %scan3A_7 = arith.constant 256 : i32
    %mul3A_8 = arith.constant 32 : i32
    %mul3A_9 = arith.muli %arg1, %mul3A_8 : i32
    "tpu.region"() ({
      %run_scoped3A = tpu.sem_alloc : memref<!tpu.dma_semaphore, #tpu.memory_space<semaphore_mem>>
      %dma_start3A_166 = arith.constant 0 : i32
      %dma_start3A_167 = tpu.memref_slice %arg9[%mul3A_9, %dma_start3A_166] : memref<512x128xf32, #tpu.memory_space<vmem_shared>> -> memref<32x128xf32, #tpu.memory_space<vmem_shared>>
      %dma_start3A_168 = arith.constant 0 : i32
      %dma_start3A_169 = tpu.memref_slice %arg9[%mul3A_9, %dma_start3A_168] : memref<512x128xf32, #tpu.memory_space<vmem_shared>> -> memref<32x128xf32, #tpu.memory_space<vmem_shared>>
      tpu.enqueue_dma source(%arg15 : memref<32x128xf32, #tpu.memory_space<vmem>>) target(%dma_start3A_169 : memref<32x128xf32, #tpu.memory_space<vmem_shared>>) target_semaphore(%run_scoped3A : memref<!tpu.dma_semaphore, #tpu.memory_space<semaphore_mem>>)
      %dma_wait3A_170 = arith.constant 0 : i32
      %dma_wait3A_171 = tpu.memref_slice %arg9[%mul3A_9, %dma_wait3A_170] : memref<512x128xf32, #tpu.memory_space<vmem_shared>> -> memref<32x128xf32, #tpu.memory_space<vmem_shared>>
      %dma_wait3A_172 = arith.constant 0 : i32
      %dma_wait3A_173 = tpu.memref_slice %arg9[%mul3A_9, %dma_wait3A_172] : memref<512x128xf32, #tpu.memory_space<vmem_shared>> -> memref<32x128xf32, #tpu.memory_space<vmem_shared>>
      tpu.wait_dma2 semaphore(%run_scoped3A : memref<!tpu.dma_semaphore, #tpu.memory_space<semaphore_mem>>) src(%arg15 : memref<32x128xf32, #tpu.memory_space<vmem>>) dst(%dma_wait3A_173 : memref<32x128xf32, #tpu.memory_space<vmem_shared>>)
      tpu.yield
    }) : () -> ()
    %barrier3A = arith.constant 0 : index
    tpu.barrier barrier_id(%barrier3A)
    %mul3A_10 = arith.constant 3120 : i32
    %mul3A_11 = arith.muli %mul3A_10, %add3A : i32
    %min3A = arith.constant 20 : i32
    %min3A_12 = arith.minsi %add3A, %min3A : i32
    %mul3A_13 = arith.constant 8 : i32
    %mul3A_14 = arith.muli %mul3A_13, %min3A_12 : i32
    %add3A_15 = arith.addi %mul3A_11, %mul3A_14 : i32
    %add3A_16 = arith.constant 0 : i32
    %add3A_17 = arith.addi %add3A_15, %add3A_16 : i32
    %dma_start3A = tpu.memref_slice %arg3[%add3A_17] : memref<100000xi32, #tpu.memory_space<hbm>> -> memref<120xi32, #tpu.memory_space<hbm>>
    %dma_start3A_18 = tpu.memref_slice %arg3[%add3A_17] : memref<100000xi32, #tpu.memory_space<hbm>> -> memref<120xi32, #tpu.memory_space<hbm>>
    tpu.enqueue_dma source(%dma_start3A_18 : memref<120xi32, #tpu.memory_space<hbm>>) target(%arg12 : memref<120xi32, #tpu.memory_space<vmem>>) target_semaphore(%arg22 : memref<!tpu.dma_semaphore, #tpu.memory_space<semaphore_mem>>)
    %dma_start3A_19 = arith.constant 0 : i32
    %dma_start3A_20 = tpu.memref_slice %arg2[%add3A_17, %dma_start3A_19] : memref<100000x128xf32, #tpu.memory_space<hbm>> -> memref<120x128xf32, #tpu.memory_space<hbm>>
    %dma_start3A_21 = arith.constant 0 : i32
    %dma_start3A_22 = tpu.memref_slice %arg2[%add3A_17, %dma_start3A_21] : memref<100000x128xf32, #tpu.memory_space<hbm>> -> memref<120x128xf32, #tpu.memory_space<hbm>>
    tpu.enqueue_dma source(%dma_start3A_22 : memref<120x128xf32, #tpu.memory_space<hbm>>) target(%arg10 : memref<120x128xf32, #tpu.memory_space<vmem>>) target_semaphore(%arg22 : memref<!tpu.dma_semaphore, #tpu.memory_space<semaphore_mem>>)
    %add3A_23 = arith.constant 120 : i32
    %add3A_24 = arith.addi %add3A_15, %add3A_23 : i32
    %dma_start3A_25 = tpu.memref_slice %arg3[%add3A_24] : memref<100000xi32, #tpu.memory_space<hbm>> -> memref<120xi32, #tpu.memory_space<hbm>>
    %dma_start3A_26 = tpu.memref_slice %arg3[%add3A_24] : memref<100000xi32, #tpu.memory_space<hbm>> -> memref<120xi32, #tpu.memory_space<hbm>>
    tpu.enqueue_dma source(%dma_start3A_26 : memref<120xi32, #tpu.memory_space<hbm>>) target(%arg13 : memref<120xi32, #tpu.memory_space<vmem>>) target_semaphore(%arg23 : memref<!tpu.dma_semaphore, #tpu.memory_space<semaphore_mem>>)
    %dma_start3A_27 = arith.constant 0 : i32
    %dma_start3A_28 = tpu.memref_slice %arg2[%add3A_24, %dma_start3A_27] : memref<100000x128xf32, #tpu.memory_space<hbm>> -> memref<120x128xf32, #tpu.memory_space<hbm>>
    %dma_start3A_29 = arith.constant 0 : i32
    %dma_start3A_30 = tpu.memref_slice %arg2[%add3A_24, %dma_start3A_29] : memref<100000x128xf32, #tpu.memory_space<hbm>> -> memref<120x128xf32, #tpu.memory_space<hbm>>
    tpu.enqueue_dma source(%dma_start3A_30 : memref<120x128xf32, #tpu.memory_space<hbm>>) target(%arg11 : memref<120x128xf32, #tpu.memory_space<vmem>>) target_semaphore(%arg23 : memref<!tpu.dma_semaphore, #tpu.memory_space<semaphore_mem>>)
    %scan3A_31 = arith.constant 0 : i32
    %scan3A_32 = arith.constant 0 : i32
    %scan3A_33 = arith.constant 13 : i32
    %scan3A_34 = arith.addi %scan3A_32, %scan3A_33 : i32
    %scan3A_35 = arith.constant 1 : i32
    %scan3A_36 = scf.for %scan3A_166 = %scan3A_32 to %scan3A_34 step %scan3A_35 iter_args(%scan3A_167 = %scan3A_31) -> (i32)  : i32 {
      %mul3A_168 = arith.constant 2 : i32
      %mul3A_169 = arith.muli %mul3A_168, %scan3A_166 : i32
      %dma_wait3A_170 = arith.constant 0 : i32
      %dma_wait3A_171 = tpu.memref_slice %arg3[%dma_wait3A_170] : memref<100000xi32, #tpu.memory_space<hbm>> -> memref<120xi32, #tpu.memory_space<hbm>>
      %dma_wait3A_172 = arith.constant 0 : i32
      %dma_wait3A_173 = tpu.memref_slice %arg3[%dma_wait3A_172] : memref<100000xi32, #tpu.memory_space<hbm>> -> memref<120xi32, #tpu.memory_space<hbm>>
      tpu.wait_dma2 semaphore(%arg22 : memref<!tpu.dma_semaphore, #tpu.memory_space<semaphore_mem>>) src(%dma_wait3A_173 : memref<120xi32, #tpu.memory_space<hbm>>) dst(%arg12 : memref<120xi32, #tpu.memory_space<vmem>>)
      %dma_wait3A_174 = arith.constant 0 : i32
      %dma_wait3A_175 = arith.constant 0 : i32
      %dma_wait3A_176 = tpu.memref_slice %arg2[%dma_wait3A_174, %dma_wait3A_175] : memref<100000x128xf32, #tpu.memory_space<hbm>> -> memref<120x128xf32, #tpu.memory_space<hbm>>
      %dma_wait3A_177 = arith.constant 0 : i32
      %dma_wait3A_178 = arith.constant 0 : i32
      %dma_wait3A_179 = tpu.memref_slice %arg2[%dma_wait3A_177, %dma_wait3A_178] : memref<100000x128xf32, #tpu.memory_space<hbm>> -> memref<120x128xf32, #tpu.memory_space<hbm>>
      tpu.wait_dma2 semaphore(%arg22 : memref<!tpu.dma_semaphore, #tpu.memory_space<semaphore_mem>>) src(%dma_wait3A_179 : memref<120x128xf32, #tpu.memory_space<hbm>>) dst(%arg10 : memref<120x128xf32, #tpu.memory_space<vmem>>)
      "tpu.region"() ({
        %run_scoped3A = tpu.sem_alloc : memref<!tpu.dma_semaphore, #tpu.memory_space<semaphore_mem>>
        %dma_start3A_205 = arith.constant 0 : i32
        %dma_start3A_206 = arith.constant 0 : i32
        %dma_start3A_207 = tpu.memref_slice %arg9[%dma_start3A_205, %dma_start3A_206] : memref<512x128xf32, #tpu.memory_space<vmem_shared>> -> memref<512x128xf32, #tpu.memory_space<vmem_shared>>
        tpu.enqueue_indirect_dma source(%arg10 : memref<120x128xf32, #tpu.memory_space<vmem>>) target(%dma_start3A_207 : memref<512x128xf32, #tpu.memory_space<vmem_shared>>) offsets(%arg12 : memref<120xi32, #tpu.memory_space<vmem>>) semaphore(%run_scoped3A : memref<!tpu.dma_semaphore, #tpu.memory_space<semaphore_mem>>) {add = true}
        %dma_wait3A_208 = arith.constant 0 : i32
        %dma_wait3A_209 = arith.constant 0 : i32
        %dma_wait3A_210 = tpu.memref_slice %arg9[%dma_wait3A_208, %dma_wait3A_209] : memref<512x128xf32, #tpu.memory_space<vmem_shared>> -> memref<512x128xf32, #tpu.memory_space<vmem_shared>>
        tpu.wait_indirect_dma semaphore(%run_scoped3A : memref<!tpu.dma_semaphore, #tpu.memory_space<semaphore_mem>>) src(%arg10 : memref<120x128xf32, #tpu.memory_space<vmem>>) dst(%dma_wait3A_210 : memref<512x128xf32, #tpu.memory_space<vmem_shared>>)
        tpu.yield
      }) : () -> ()
      %add3A_180 = arith.constant 2 : i32
      %add3A_181 = arith.addi %mul3A_169, %add3A_180 : i32
      %lt3A_182 = arith.constant 26 : i32
      %lt3A_183 = arith.cmpi slt, %add3A_181, %lt3A_182 : i32
      %convert_element_type3A_184 = arith.extui %lt3A_183 : i1 to i32
      %cond3A_185 = arith.constant 0 : i32
      %cond3A_186 = arith.cmpi ne, %convert_element_type3A_184, %cond3A_185 : i32
      scf.if %cond3A_186 {
        %add3A_205 = arith.constant 2 : i32
        %add3A_206 = arith.addi %mul3A_169, %add3A_205 : i32
        %mul3A_207 = arith.constant 120 : i32
        %mul3A_208 = arith.muli %add3A_206, %mul3A_207 : i32
        %add3A_209 = arith.addi %add3A_15, %mul3A_208 : i32
        %dma_start3A_210 = tpu.memref_slice %arg3[%add3A_209] : memref<100000xi32, #tpu.memory_space<hbm>> -> memref<120xi32, #tpu.memory_space<hbm>>
        %dma_start3A_211 = tpu.memref_slice %arg3[%add3A_209] : memref<100000xi32, #tpu.memory_space<hbm>> -> memref<120xi32, #tpu.memory_space<hbm>>
        tpu.enqueue_dma source(%dma_start3A_211 : memref<120xi32, #tpu.memory_space<hbm>>) target(%arg12 : memref<120xi32, #tpu.memory_space<vmem>>) target_semaphore(%arg22 : memref<!tpu.dma_semaphore, #tpu.memory_space<semaphore_mem>>)
        %dma_start3A_212 = arith.constant 0 : i32
        %dma_start3A_213 = tpu.memref_slice %arg2[%add3A_209, %dma_start3A_212] : memref<100000x128xf32, #tpu.memory_space<hbm>> -> memref<120x128xf32, #tpu.memory_space<hbm>>
        %dma_start3A_214 = arith.constant 0 : i32
        %dma_start3A_215 = tpu.memref_slice %arg2[%add3A_209, %dma_start3A_214] : memref<100000x128xf32, #tpu.memory_space<hbm>> -> memref<120x128xf32, #tpu.memory_space<hbm>>
        tpu.enqueue_dma source(%dma_start3A_215 : memref<120x128xf32, #tpu.memory_space<hbm>>) target(%arg10 : memref<120x128xf32, #tpu.memory_space<vmem>>) target_semaphore(%arg22 : memref<!tpu.dma_semaphore, #tpu.memory_space<semaphore_mem>>)
      } else {
      }
      %dma_wait3A_187 = arith.constant 0 : i32
      %dma_wait3A_188 = tpu.memref_slice %arg3[%dma_wait3A_187] : memref<100000xi32, #tpu.memory_space<hbm>> -> memref<120xi32, #tpu.memory_space<hbm>>
      %dma_wait3A_189 = arith.constant 0 : i32
      %dma_wait3A_190 = tpu.memref_slice %arg3[%dma_wait3A_189] : memref<100000xi32, #tpu.memory_space<hbm>> -> memref<120xi32, #tpu.memory_space<hbm>>
      tpu.wait_dma2 semaphore(%arg23 : memref<!tpu.dma_semaphore, #tpu.memory_space<semaphore_mem>>) src(%dma_wait3A_190 : memref<120xi32, #tpu.memory_space<hbm>>) dst(%arg13 : memref<120xi32, #tpu.memory_space<vmem>>)
      %dma_wait3A_191 = arith.constant 0 : i32
      %dma_wait3A_192 = arith.constant 0 : i32
      %dma_wait3A_193 = tpu.memref_slice %arg2[%dma_wait3A_191, %dma_wait3A_192] : memref<100000x128xf32, #tpu.memory_space<hbm>> -> memref<120x128xf32, #tpu.memory_space<hbm>>
      %dma_wait3A_194 = arith.constant 0 : i32
      %dma_wait3A_195 = arith.constant 0 : i32
      %dma_wait3A_196 = tpu.memref_slice %arg2[%dma_wait3A_194, %dma_wait3A_195] : memref<100000x128xf32, #tpu.memory_space<hbm>> -> memref<120x128xf32, #tpu.memory_space<hbm>>
      tpu.wait_dma2 semaphore(%arg23 : memref<!tpu.dma_semaphore, #tpu.memory_space<semaphore_mem>>) src(%dma_wait3A_196 : memref<120x128xf32, #tpu.memory_space<hbm>>) dst(%arg11 : memref<120x128xf32, #tpu.memory_space<vmem>>)
      "tpu.region"() ({
        %run_scoped3A = tpu.sem_alloc : memref<!tpu.dma_semaphore, #tpu.memory_space<semaphore_mem>>
        %dma_start3A_205 = arith.constant 0 : i32
        %dma_start3A_206 = arith.constant 0 : i32
        %dma_start3A_207 = tpu.memref_slice %arg9[%dma_start3A_205, %dma_start3A_206] : memref<512x128xf32, #tpu.memory_space<vmem_shared>> -> memref<512x128xf32, #tpu.memory_space<vmem_shared>>
        tpu.enqueue_indirect_dma source(%arg11 : memref<120x128xf32, #tpu.memory_space<vmem>>) target(%dma_start3A_207 : memref<512x128xf32, #tpu.memory_space<vmem_shared>>) offsets(%arg13 : memref<120xi32, #tpu.memory_space<vmem>>) semaphore(%run_scoped3A : memref<!tpu.dma_semaphore, #tpu.memory_space<semaphore_mem>>) {add = true}
        %dma_wait3A_208 = arith.constant 0 : i32
        %dma_wait3A_209 = arith.constant 0 : i32
        %dma_wait3A_210 = tpu.memref_slice %arg9[%dma_wait3A_208, %dma_wait3A_209] : memref<512x128xf32, #tpu.memory_space<vmem_shared>> -> memref<512x128xf32, #tpu.memory_space<vmem_shared>>
        tpu.wait_indirect_dma semaphore(%run_scoped3A : memref<!tpu.dma_semaphore, #tpu.memory_space<semaphore_mem>>) src(%arg11 : memref<120x128xf32, #tpu.memory_space<vmem>>) dst(%dma_wait3A_210 : memref<512x128xf32, #tpu.memory_space<vmem_shared>>)
        tpu.yield
      }) : () -> ()
      %add3A_197 = arith.constant 3 : i32
      %add3A_198 = arith.addi %mul3A_169, %add3A_197 : i32
      %lt3A_199 = arith.constant 26 : i32
      %lt3A_200 = arith.cmpi slt, %add3A_198, %lt3A_199 : i32
      %convert_element_type3A_201 = arith.extui %lt3A_200 : i1 to i32
      %cond3A_202 = arith.constant 0 : i32
      %cond3A_203 = arith.cmpi ne, %convert_element_type3A_201, %cond3A_202 : i32
      scf.if %cond3A_203 {
        %add3A_205 = arith.constant 3 : i32
        %add3A_206 = arith.addi %mul3A_169, %add3A_205 : i32
        %mul3A_207 = arith.constant 120 : i32
        %mul3A_208 = arith.muli %add3A_206, %mul3A_207 : i32
        %add3A_209 = arith.addi %add3A_15, %mul3A_208 : i32
        %dma_start3A_210 = tpu.memref_slice %arg3[%add3A_209] : memref<100000xi32, #tpu.memory_space<hbm>> -> memref<120xi32, #tpu.memory_space<hbm>>
        %dma_start3A_211 = tpu.memref_slice %arg3[%add3A_209] : memref<100000xi32, #tpu.memory_space<hbm>> -> memref<120xi32, #tpu.memory_space<hbm>>
        tpu.enqueue_dma source(%dma_start3A_211 : memref<120xi32, #tpu.memory_space<hbm>>) target(%arg13 : memref<120xi32, #tpu.memory_space<vmem>>) target_semaphore(%arg23 : memref<!tpu.dma_semaphore, #tpu.memory_space<semaphore_mem>>)
        %dma_start3A_212 = arith.constant 0 : i32
        %dma_start3A_213 = tpu.memref_slice %arg2[%add3A_209, %dma_start3A_212] : memref<100000x128xf32, #tpu.memory_space<hbm>> -> memref<120x128xf32, #tpu.memory_space<hbm>>
        %dma_start3A_214 = arith.constant 0 : i32
        %dma_start3A_215 = tpu.memref_slice %arg2[%add3A_209, %dma_start3A_214] : memref<100000x128xf32, #tpu.memory_space<hbm>> -> memref<120x128xf32, #tpu.memory_space<hbm>>
        tpu.enqueue_dma source(%dma_start3A_215 : memref<120x128xf32, #tpu.memory_space<hbm>>) target(%arg11 : memref<120x128xf32, #tpu.memory_space<vmem>>) target_semaphore(%arg23 : memref<!tpu.dma_semaphore, #tpu.memory_space<semaphore_mem>>)
      } else {
      }
      %scan3A_204 = arith.constant 0 : i32
      scf.yield %scan3A_204 : i32
    }
    %scan3A_37 = arith.constant 13 : i32
    %lt3A = arith.constant 20 : i32
    %lt3A_38 = arith.cmpi slt, %add3A, %lt3A : i32
    %convert_element_type3A = arith.extui %lt3A_38 : i1 to i32
    %cond3A = arith.constant 0 : i32
    %cond3A_39 = arith.cmpi ne, %convert_element_type3A, %cond3A : i32
    scf.if %cond3A_39 {
      %add3A_166 = arith.constant 3120 : i32
      %add3A_167 = arith.addi %add3A_15, %add3A_166 : i32
      "tpu.region"() ({
        %run_scoped3A = tpu.sem_alloc : memref<!tpu.dma_semaphore, #tpu.memory_space<semaphore_mem>>
        %dma_start3A_168 = tpu.memref_slice %arg3[%add3A_167] : memref<100000xi32, #tpu.memory_space<hbm>> -> memref<8xi32, #tpu.memory_space<hbm>>
        %dma_start3A_169 = tpu.memref_slice %arg3[%add3A_167] : memref<100000xi32, #tpu.memory_space<hbm>> -> memref<8xi32, #tpu.memory_space<hbm>>
        tpu.enqueue_dma source(%dma_start3A_169 : memref<8xi32, #tpu.memory_space<hbm>>) target(%arg14 : memref<8xi32, #tpu.memory_space<vmem>>) target_semaphore(%run_scoped3A : memref<!tpu.dma_semaphore, #tpu.memory_space<semaphore_mem>>)
        %dma_wait3A_170 = tpu.memref_slice %arg3[%add3A_167] : memref<100000xi32, #tpu.memory_space<hbm>> -> memref<8xi32, #tpu.memory_space<hbm>>
        %dma_wait3A_171 = tpu.memref_slice %arg3[%add3A_167] : memref<100000xi32, #tpu.memory_space<hbm>> -> memref<8xi32, #tpu.memory_space<hbm>>
        tpu.wait_dma2 semaphore(%run_scoped3A : memref<!tpu.dma_semaphore, #tpu.memory_space<semaphore_mem>>) src(%dma_wait3A_171 : memref<8xi32, #tpu.memory_space<hbm>>) dst(%arg14 : memref<8xi32, #tpu.memory_space<vmem>>)
        tpu.yield
      }) : () -> ()
      "tpu.region"() ({
        %run_scoped3A = tpu.sem_alloc : memref<!tpu.dma_semaphore, #tpu.memory_space<semaphore_mem>>
        %dma_start3A_168 = arith.constant 0 : i32
        %dma_start3A_169 = arith.constant 0 : i32
        %dma_start3A_170 = tpu.memref_slice %arg10[%dma_start3A_168, %dma_start3A_169] : memref<120x128xf32, #tpu.memory_space<vmem>> -> memref<8x128xf32, #tpu.memory_space<vmem>>
        %dma_start3A_171 = arith.constant 0 : i32
        %dma_start3A_172 = tpu.memref_slice %arg2[%add3A_167, %dma_start3A_171] : memref<100000x128xf32, #tpu.memory_space<hbm>> -> memref<8x128xf32, #tpu.memory_space<hbm>>
        %dma_start3A_173 = arith.constant 0 : i32
        %dma_start3A_174 = arith.constant 0 : i32
        %dma_start3A_175 = tpu.memref_slice %arg10[%dma_start3A_173, %dma_start3A_174] : memref<120x128xf32, #tpu.memory_space<vmem>> -> memref<8x128xf32, #tpu.memory_space<vmem>>
        %dma_start3A_176 = arith.constant 0 : i32
        %dma_start3A_177 = tpu.memref_slice %arg2[%add3A_167, %dma_start3A_176] : memref<100000x128xf32, #tpu.memory_space<hbm>> -> memref<8x128xf32, #tpu.memory_space<hbm>>
        tpu.enqueue_dma source(%dma_start3A_177 : memref<8x128xf32, #tpu.memory_space<hbm>>) target(%dma_start3A_175 : memref<8x128xf32, #tpu.memory_space<vmem>>) target_semaphore(%run_scoped3A : memref<!tpu.dma_semaphore, #tpu.memory_space<semaphore_mem>>)
        %dma_wait3A_178 = arith.constant 0 : i32
        %dma_wait3A_179 = arith.constant 0 : i32
        %dma_wait3A_180 = tpu.memref_slice %arg10[%dma_wait3A_178, %dma_wait3A_179] : memref<120x128xf32, #tpu.memory_space<vmem>> -> memref<8x128xf32, #tpu.memory_space<vmem>>
        %dma_wait3A_181 = arith.constant 0 : i32
        %dma_wait3A_182 = tpu.memref_slice %arg2[%add3A_167, %dma_wait3A_181] : memref<100000x128xf32, #tpu.memory_space<hbm>> -> memref<8x128xf32, #tpu.memory_space<hbm>>
        %dma_wait3A_183 = arith.constant 0 : i32
        %dma_wait3A_184 = arith.constant 0 : i32
        %dma_wait3A_185 = tpu.memref_slice %arg10[%dma_wait3A_183, %dma_wait3A_184] : memref<120x128xf32, #tpu.memory_space<vmem>> -> memref<8x128xf32, #tpu.memory_space<vmem>>
        %dma_wait3A_186 = arith.constant 0 : i32
        %dma_wait3A_187 = tpu.memref_slice %arg2[%add3A_167, %dma_wait3A_186] : memref<100000x128xf32, #tpu.memory_space<hbm>> -> memref<8x128xf32, #tpu.memory_space<hbm>>
        tpu.wait_dma2 semaphore(%run_scoped3A : memref<!tpu.dma_semaphore, #tpu.memory_space<semaphore_mem>>) src(%dma_wait3A_187 : memref<8x128xf32, #tpu.memory_space<hbm>>) dst(%dma_wait3A_185 : memref<8x128xf32, #tpu.memory_space<vmem>>)
        tpu.yield
      }) : () -> ()
      "tpu.region"() ({
        %run_scoped3A = tpu.sem_alloc : memref<!tpu.dma_semaphore, #tpu.memory_space<semaphore_mem>>
        %dma_start3A_168 = arith.constant 0 : i32
        %dma_start3A_169 = arith.constant 0 : i32
        %dma_start3A_170 = tpu.memref_slice %arg10[%dma_start3A_168, %dma_start3A_169] : memref<120x128xf32, #tpu.memory_space<vmem>> -> memref<8x128xf32, #tpu.memory_space<vmem>>
        %dma_start3A_171 = arith.constant 0 : i32
        %dma_start3A_172 = arith.constant 0 : i32
        %dma_start3A_173 = tpu.memref_slice %arg9[%dma_start3A_171, %dma_start3A_172] : memref<512x128xf32, #tpu.memory_space<vmem_shared>> -> memref<512x128xf32, #tpu.memory_space<vmem_shared>>
        tpu.enqueue_indirect_dma source(%dma_start3A_170 : memref<8x128xf32, #tpu.memory_space<vmem>>) target(%dma_start3A_173 : memref<512x128xf32, #tpu.memory_space<vmem_shared>>) offsets(%arg14 : memref<8xi32, #tpu.memory_space<vmem>>) semaphore(%run_scoped3A : memref<!tpu.dma_semaphore, #tpu.memory_space<semaphore_mem>>) {add = true}
        %dma_wait3A_174 = arith.constant 0 : i32
        %dma_wait3A_175 = arith.constant 0 : i32
        %dma_wait3A_176 = tpu.memref_slice %arg10[%dma_wait3A_174, %dma_wait3A_175] : memref<120x128xf32, #tpu.memory_space<vmem>> -> memref<8x128xf32, #tpu.memory_space<vmem>>
        %dma_wait3A_177 = arith.constant 0 : i32
        %dma_wait3A_178 = arith.constant 0 : i32
        %dma_wait3A_179 = tpu.memref_slice %arg9[%dma_wait3A_177, %dma_wait3A_178] : memref<512x128xf32, #tpu.memory_space<vmem_shared>> -> memref<512x128xf32, #tpu.memory_space<vmem_shared>>
        tpu.wait_indirect_dma semaphore(%run_scoped3A : memref<!tpu.dma_semaphore, #tpu.memory_space<semaphore_mem>>) src(%dma_wait3A_176 : memref<8x128xf32, #tpu.memory_space<vmem>>) dst(%dma_wait3A_179 : memref<512x128xf32, #tpu.memory_space<vmem_shared>>)
        tpu.yield
      }) : () -> ()
    } else {
    }
    %mul3A_40 = arith.constant 32 : i32
    %mul3A_41 = arith.muli %add3A, %mul3A_40 : i32
    %jit3A = arith.constant 512 : i32
    %div3A = arith.divsi %mul3A_41, %jit3A : i32
    %sign3A = arith.constant 0 : i32
    %sign3A_42 = arith.cmpi sgt, %mul3A_41, %sign3A : i32
    %sign3A_43 = arith.extui %sign3A_42 : i1 to i32
    %sign3A_44 = arith.constant 0 : i32
    %sign3A_45 = arith.cmpi slt, %mul3A_41, %sign3A_44 : i32
    %sign3A_46 = arith.extui %sign3A_45 : i1 to i32
    %sign3A_47 = arith.subi %sign3A_43, %sign3A_46 : i32
    %sign3A_48 = arith.constant 0 : i32
    %sign3A_49 = arith.cmpi sgt, %jit3A, %sign3A_48 : i32
    %sign3A_50 = arith.extui %sign3A_49 : i1 to i32
    %sign3A_51 = arith.constant 0 : i32
    %sign3A_52 = arith.cmpi slt, %jit3A, %sign3A_51 : i32
    %sign3A_53 = arith.extui %sign3A_52 : i1 to i32
    %sign3A_54 = arith.subi %sign3A_50, %sign3A_53 : i32
    %ne3A = arith.cmpi ne, %sign3A_47, %sign3A_54 : i32
    %rem3A = arith.remsi %mul3A_41, %jit3A : i32
    %ne3A_55 = arith.constant 0 : i32
    %ne3A_56 = arith.cmpi ne, %rem3A, %ne3A_55 : i32
    %and3A = arith.andi %ne3A, %ne3A_56 : i1
    %sub3A = arith.constant 1 : i32
    %sub3A_57 = arith.subi %div3A, %sub3A : i32
    %select_n3A = arith.select %and3A, %sub3A_57, %div3A : i32
    %mul3A_58 = arith.constant 512 : i32
    %mul3A_59 = arith.muli %select_n3A, %mul3A_58 : i32
    %sub3A_60 = arith.subi %mul3A_41, %mul3A_59 : i32
    %iota3A = tpu.iota {dimensions = array<i32: 0>} : vector<16xi32>
    %add3A_61 = vector.broadcast %sub3A_60 : i32 to vector<16xi32>
    %add3A_62 = arith.addi %add3A_61, %iota3A : vector<16xi32>
    %add3A_63 = arith.constant 16 : i32
    %add3A_64 = arith.addi %sub3A_60, %add3A_63 : i32
    %add3A_65 = vector.broadcast %add3A_64 : i32 to vector<16xi32>
    %add3A_66 = arith.addi %add3A_65, %iota3A : vector<16xi32>
    %add3A_67 = arith.constant 1 : i32
    %add3A_68 = arith.addi %sub3A_60, %add3A_67 : i32
    %add3A_69 = vector.broadcast %add3A_68 : i32 to vector<16xi32>
    %add3A_70 = arith.addi %add3A_69, %iota3A : vector<16xi32>
    %add3A_71 = arith.constant 16 : i32
    %add3A_72 = arith.addi %sub3A_60, %add3A_71 : i32
    %add3A_73 = arith.constant 1 : i32
    %add3A_74 = arith.addi %add3A_72, %add3A_73 : i32
    %add3A_75 = vector.broadcast %add3A_74 : i32 to vector<16xi32>
    %add3A_76 = arith.addi %add3A_75, %iota3A : vector<16xi32>
    %broadcast_in_dim3A_77 = arith.constant 0 : i32
    %broadcast_in_dim3A_78 = vector.broadcast %broadcast_in_dim3A_77 : i32 to vector<16xi32>
    %broadcast_in_dim3A_79 = arith.constant 100000 : i32
    %broadcast_in_dim3A_80 = vector.broadcast %broadcast_in_dim3A_79 : i32 to vector<16xi32>
    %scan3A_81 = arith.constant 0 : i32
    %scan3A_82 = arith.constant 17 : i32
    %scan3A_83 = arith.addi %scan3A_81, %scan3A_82 : i32
    %scan3A_84 = arith.constant 1 : i32
    %scan3A_85:8 = scf.for %scan3A_166 = %scan3A_81 to %scan3A_83 step %scan3A_84 iter_args(%scan3A_167 = %broadcast_in_dim3A_78, %scan3A_168 = %broadcast_in_dim3A_78, %scan3A_169 = %broadcast_in_dim3A_78, %scan3A_170 = %broadcast_in_dim3A_78, %scan3A_171 = %broadcast_in_dim3A_80, %scan3A_172 = %broadcast_in_dim3A_80, %scan3A_173 = %broadcast_in_dim3A_80, %scan3A_174 = %broadcast_in_dim3A_80) -> (vector<16xi32>, vector<16xi32>, vector<16xi32>, vector<16xi32>, vector<16xi32>, vector<16xi32>, vector<16xi32>, vector<16xi32>)  : i32 {
      %add3A_175 = arith.addi %scan3A_167, %scan3A_171 : vector<16xi32>
      %shift_right_arithmetic3A = arith.constant 1 : i32
      %shift_right_arithmetic3A_176 = vector.broadcast %shift_right_arithmetic3A : i32 to vector<16xi32>
      %shift_right_arithmetic3A_177 = arith.shrsi %add3A_175, %shift_right_arithmetic3A_176 : vector<16xi32>
      %swap3A_178 = arith.constant 0 : index
      %swap3A_179 = tpu.vector_load %arg16[%swap3A_178] {strides = array<i32>} : memref<64xi32, #tpu.memory_space<vmem>>, vector<16xi32>,
      %swap3A_180 = vector.shape_cast %swap3A_179 : vector<16xi32> to vector<16xi32>
      %swap3A_181 = vector.shape_cast %shift_right_arithmetic3A_177 : vector<16xi32> to vector<16xi32>
      tpu.vector_store %arg16[%swap3A_178], %swap3A_181 {strides = array<i32>} : memref<64xi32, #tpu.memory_space<vmem>>, vector<16xi32>,
      %add3A_182 = arith.addi %scan3A_168, %scan3A_172 : vector<16xi32>
      %shift_right_arithmetic3A_183 = arith.constant 1 : i32
      %shift_right_arithmetic3A_184 = vector.broadcast %shift_right_arithmetic3A_183 : i32 to vector<16xi32>
      %shift_right_arithmetic3A_185 = arith.shrsi %add3A_182, %shift_right_arithmetic3A_184 : vector<16xi32>
      %swap3A_186 = arith.constant 16 : index
      %swap3A_187 = tpu.vector_load %arg16[%swap3A_186] {strides = array<i32>} : memref<64xi32, #tpu.memory_space<vmem>>, vector<16xi32>,
      %swap3A_188 = vector.shape_cast %swap3A_187 : vector<16xi32> to vector<16xi32>
      %swap3A_189 = vector.shape_cast %shift_right_arithmetic3A_185 : vector<16xi32> to vector<16xi32>
      tpu.vector_store %arg16[%swap3A_186], %swap3A_189 {strides = array<i32>} : memref<64xi32, #tpu.memory_space<vmem>>, vector<16xi32>,
      %add3A_190 = arith.addi %scan3A_169, %scan3A_173 : vector<16xi32>
      %shift_right_arithmetic3A_191 = arith.constant 1 : i32
      %shift_right_arithmetic3A_192 = vector.broadcast %shift_right_arithmetic3A_191 : i32 to vector<16xi32>
      %shift_right_arithmetic3A_193 = arith.shrsi %add3A_190, %shift_right_arithmetic3A_192 : vector<16xi32>
      %swap3A_194 = arith.constant 32 : index
      %swap3A_195 = tpu.vector_load %arg16[%swap3A_194] {strides = array<i32>} : memref<64xi32, #tpu.memory_space<vmem>>, vector<16xi32>,
      %swap3A_196 = vector.shape_cast %swap3A_195 : vector<16xi32> to vector<16xi32>
      %swap3A_197 = vector.shape_cast %shift_right_arithmetic3A_193 : vector<16xi32> to vector<16xi32>
      tpu.vector_store %arg16[%swap3A_194], %swap3A_197 {strides = array<i32>} : memref<64xi32, #tpu.memory_space<vmem>>, vector<16xi32>,
      %add3A_198 = arith.addi %scan3A_170, %scan3A_174 : vector<16xi32>
      %shift_right_arithmetic3A_199 = arith.constant 1 : i32
      %shift_right_arithmetic3A_200 = vector.broadcast %shift_right_arithmetic3A_199 : i32 to vector<16xi32>
      %shift_right_arithmetic3A_201 = arith.shrsi %add3A_198, %shift_right_arithmetic3A_200 : vector<16xi32>
      %swap3A_202 = arith.constant 48 : index
      %swap3A_203 = tpu.vector_load %arg16[%swap3A_202] {strides = array<i32>} : memref<64xi32, #tpu.memory_space<vmem>>, vector<16xi32>,
      %swap3A_204 = vector.shape_cast %swap3A_203 : vector<16xi32> to vector<16xi32>
      %swap3A_205 = vector.shape_cast %shift_right_arithmetic3A_201 : vector<16xi32> to vector<16xi32>
      tpu.vector_store %arg16[%swap3A_202], %swap3A_205 {strides = array<i32>} : memref<64xi32, #tpu.memory_space<vmem>>, vector<16xi32>,
      %dma_start3A_206 = arith.constant 0 : i32
      %dma_start3A_207 = tpu.memref_slice %arg3[%dma_start3A_206] : memref<100000xi32, #tpu.memory_space<hbm>> -> memref<100000xi32, #tpu.memory_space<hbm>>
      tpu.enqueue_indirect_dma source(%dma_start3A_207 : memref<100000xi32, #tpu.memory_space<hbm>>) target(%arg17 : memref<64xi32, #tpu.memory_space<vmem>>) offsets(%arg16 : memref<64xi32, #tpu.memory_space<vmem>>) semaphore(%arg24 : memref<!tpu.dma_semaphore, #tpu.memory_space<semaphore_mem>>)
      %dma_wait3A_208 = arith.constant 0 : i32
      %dma_wait3A_209 = tpu.memref_slice %arg3[%dma_wait3A_208] : memref<100000xi32, #tpu.memory_space<hbm>> -> memref<100000xi32, #tpu.memory_space<hbm>>
      tpu.wait_indirect_dma semaphore(%arg24 : memref<!tpu.dma_semaphore, #tpu.memory_space<semaphore_mem>>) src(%dma_wait3A_209 : memref<100000xi32, #tpu.memory_space<hbm>>) dst(%arg17 : memref<64xi32, #tpu.memory_space<vmem>>)
      %add3A_210 = arith.addi %scan3A_167, %scan3A_171 : vector<16xi32>
      %shift_right_arithmetic3A_211 = arith.constant 1 : i32
      %shift_right_arithmetic3A_212 = vector.broadcast %shift_right_arithmetic3A_211 : i32 to vector<16xi32>
      %shift_right_arithmetic3A_213 = arith.shrsi %add3A_210, %shift_right_arithmetic3A_212 : vector<16xi32>
      %get3A_214 = arith.constant 0 : index
      %get3A_215 = tpu.vector_load %arg17[%get3A_214] {strides = array<i32>} : memref<64xi32, #tpu.memory_space<vmem>>, vector<16xi32>,
      %get3A_216 = vector.shape_cast %get3A_215 : vector<16xi32> to vector<16xi32>
      %lt3A_217 = arith.cmpi slt, %get3A_216, %add3A_62 : vector<16xi32>
      %add3A_218 = arith.constant 1 : i32
      %add3A_219 = vector.broadcast %add3A_218 : i32 to vector<16xi32>
      %add3A_220 = arith.addi %shift_right_arithmetic3A_213, %add3A_219 : vector<16xi32>
      %select_n3A_221 = arith.select %lt3A_217, %add3A_220, %scan3A_167 : vector<16xi1>, vector<16xi32>
      %select_n3A_222 = arith.select %lt3A_217, %scan3A_171, %shift_right_arithmetic3A_213 : vector<16xi1>, vector<16xi32>
      %add3A_223 = arith.addi %scan3A_168, %scan3A_172 : vector<16xi32>
      %shift_right_arithmetic3A_224 = arith.constant 1 : i32
      %shift_right_arithmetic3A_225 = vector.broadcast %shift_right_arithmetic3A_224 : i32 to vector<16xi32>
      %shift_right_arithmetic3A_226 = arith.shrsi %add3A_223, %shift_right_arithmetic3A_225 : vector<16xi32>
      %get3A_227 = arith.constant 16 : index
      %get3A_228 = tpu.vector_load %arg17[%get3A_227] {strides = array<i32>} : memref<64xi32, #tpu.memory_space<vmem>>, vector<16xi32>,
      %get3A_229 = vector.shape_cast %get3A_228 : vector<16xi32> to vector<16xi32>
      %lt3A_230 = arith.cmpi slt, %get3A_229, %add3A_66 : vector<16xi32>
      %add3A_231 = arith.constant 1 : i32
      %add3A_232 = vector.broadcast %add3A_231 : i32 to vector<16xi32>
      %add3A_233 = arith.addi %shift_right_arithmetic3A_226, %add3A_232 : vector<16xi32>
      %select_n3A_234 = arith.select %lt3A_230, %add3A_233, %scan3A_168 : vector<16xi1>, vector<16xi32>
      %select_n3A_235 = arith.select %lt3A_230, %scan3A_172, %shift_right_arithmetic3A_226 : vector<16xi1>, vector<16xi32>
      %add3A_236 = arith.addi %scan3A_169, %scan3A_173 : vector<16xi32>
      %shift_right_arithmetic3A_237 = arith.constant 1 : i32
      %shift_right_arithmetic3A_238 = vector.broadcast %shift_right_arithmetic3A_237 : i32 to vector<16xi32>
      %shift_right_arithmetic3A_239 = arith.shrsi %add3A_236, %shift_right_arithmetic3A_238 : vector<16xi32>
      %get3A_240 = arith.constant 32 : index
      %get3A_241 = tpu.vector_load %arg17[%get3A_240] {strides = array<i32>} : memref<64xi32, #tpu.memory_space<vmem>>, vector<16xi32>,
      %get3A_242 = vector.shape_cast %get3A_241 : vector<16xi32> to vector<16xi32>
      %lt3A_243 = arith.cmpi slt, %get3A_242, %add3A_70 : vector<16xi32>
      %add3A_244 = arith.constant 1 : i32
      %add3A_245 = vector.broadcast %add3A_244 : i32 to vector<16xi32>
      %add3A_246 = arith.addi %shift_right_arithmetic3A_239, %add3A_245 : vector<16xi32>
      %select_n3A_247 = arith.select %lt3A_243, %add3A_246, %scan3A_169 : vector<16xi1>, vector<16xi32>
      %select_n3A_248 = arith.select %lt3A_243, %scan3A_173, %shift_right_arithmetic3A_239 : vector<16xi1>, vector<16xi32>
      %add3A_249 = arith.addi %scan3A_170, %scan3A_174 : vector<16xi32>
      %shift_right_arithmetic3A_250 = arith.constant 1 : i32
      %shift_right_arithmetic3A_251 = vector.broadcast %shift_right_arithmetic3A_250 : i32 to vector<16xi32>
      %shift_right_arithmetic3A_252 = arith.shrsi %add3A_249, %shift_right_arithmetic3A_251 : vector<16xi32>
      %get3A_253 = arith.constant 48 : index
      %get3A_254 = tpu.vector_load %arg17[%get3A_253] {strides = array<i32>} : memref<64xi32, #tpu.memory_space<vmem>>, vector<16xi32>,
      %get3A_255 = vector.shape_cast %get3A_254 : vector<16xi32> to vector<16xi32>
      %lt3A_256 = arith.cmpi slt, %get3A_255, %add3A_76 : vector<16xi32>
      %add3A_257 = arith.constant 1 : i32
      %add3A_258 = vector.broadcast %add3A_257 : i32 to vector<16xi32>
      %add3A_259 = arith.addi %shift_right_arithmetic3A_252, %add3A_258 : vector<16xi32>
      %select_n3A_260 = arith.select %lt3A_256, %add3A_259, %scan3A_170 : vector<16xi1>, vector<16xi32>
      %select_n3A_261 = arith.select %lt3A_256, %scan3A_174, %shift_right_arithmetic3A_252 : vector<16xi1>, vector<16xi32>
      scf.yield %select_n3A_221, %select_n3A_234, %select_n3A_247, %select_n3A_260, %select_n3A_222, %select_n3A_235, %select_n3A_248, %select_n3A_261 : vector<16xi32>, vector<16xi32>, vector<16xi32>, vector<16xi32>, vector<16xi32>, vector<16xi32>, vector<16xi32>, vector<16xi32>
    }
    %scan3A_86 = arith.constant 17 : i32
    %sub3A_87 = arith.subi %scan3A_85#2, %scan3A_85#0 : vector<16xi32>
    %sub3A_88 = arith.subi %scan3A_85#3, %scan3A_85#1 : vector<16xi32>
    %eq3A = arith.constant 0 : i32
    %eq3A_89 = arith.cmpi eq, %select_n3A, %eq3A : i32
    %convert_element_type3A_90 = arith.extui %eq3A_89 : i1 to i32
    %cond3A_91 = arith.constant 0 : i32
    %cond3A_92 = arith.cmpi ne, %convert_element_type3A_90, %cond3A_91 : i32
    scf.if %cond3A_92 {
      "tpu.region"() ({
        %run_scoped3A = tpu.sem_alloc : memref<!tpu.dma_semaphore, #tpu.memory_space<semaphore_mem>>
        %dma_start3A_166 = tpu.memref_slice %arg4[%sub3A_60] : memref<512xi32, #tpu.memory_space<hbm>> -> memref<32xi32, #tpu.memory_space<hbm>>
        %dma_start3A_167 = tpu.memref_slice %arg4[%sub3A_60] : memref<512xi32, #tpu.memory_space<hbm>> -> memref<32xi32, #tpu.memory_space<hbm>>
        tpu.enqueue_dma source(%dma_start3A_167 : memref<32xi32, #tpu.memory_space<hbm>>) target(%arg20 : memref<32xi32, #tpu.memory_space<vmem>>) target_semaphore(%run_scoped3A : memref<!tpu.dma_semaphore, #tpu.memory_space<semaphore_mem>>)
        %dma_wait3A_168 = tpu.memref_slice %arg4[%sub3A_60] : memref<512xi32, #tpu.memory_space<hbm>> -> memref<32xi32, #tpu.memory_space<hbm>>
        %dma_wait3A_169 = tpu.memref_slice %arg4[%sub3A_60] : memref<512xi32, #tpu.memory_space<hbm>> -> memref<32xi32, #tpu.memory_space<hbm>>
        tpu.wait_dma2 semaphore(%run_scoped3A : memref<!tpu.dma_semaphore, #tpu.memory_space<semaphore_mem>>) src(%dma_wait3A_169 : memref<32xi32, #tpu.memory_space<hbm>>) dst(%arg20 : memref<32xi32, #tpu.memory_space<vmem>>)
        tpu.yield
      }) : () -> ()
    } else {
    }
    %eq3A_93 = arith.constant 1 : i32
    %eq3A_94 = arith.cmpi eq, %select_n3A, %eq3A_93 : i32
    %convert_element_type3A_95 = arith.extui %eq3A_94 : i1 to i32
    %cond3A_96 = arith.constant 0 : i32
    %cond3A_97 = arith.cmpi ne, %convert_element_type3A_95, %cond3A_96 : i32
    scf.if %cond3A_97 {
      "tpu.region"() ({
        %run_scoped3A = tpu.sem_alloc : memref<!tpu.dma_semaphore, #tpu.memory_space<semaphore_mem>>
        %dma_start3A_166 = tpu.memref_slice %arg5[%sub3A_60] : memref<512xi32, #tpu.memory_space<hbm>> -> memref<32xi32, #tpu.memory_space<hbm>>
        %dma_start3A_167 = tpu.memref_slice %arg5[%sub3A_60] : memref<512xi32, #tpu.memory_space<hbm>> -> memref<32xi32, #tpu.memory_space<hbm>>
        tpu.enqueue_dma source(%dma_start3A_167 : memref<32xi32, #tpu.memory_space<hbm>>) target(%arg20 : memref<32xi32, #tpu.memory_space<vmem>>) target_semaphore(%run_scoped3A : memref<!tpu.dma_semaphore, #tpu.memory_space<semaphore_mem>>)
        %dma_wait3A_168 = tpu.memref_slice %arg5[%sub3A_60] : memref<512xi32, #tpu.memory_space<hbm>> -> memref<32xi32, #tpu.memory_space<hbm>>
        %dma_wait3A_169 = tpu.memref_slice %arg5[%sub3A_60] : memref<512xi32, #tpu.memory_space<hbm>> -> memref<32xi32, #tpu.memory_space<hbm>>
        tpu.wait_dma2 semaphore(%run_scoped3A : memref<!tpu.dma_semaphore, #tpu.memory_space<semaphore_mem>>) src(%dma_wait3A_169 : memref<32xi32, #tpu.memory_space<hbm>>) dst(%arg20 : memref<32xi32, #tpu.memory_space<vmem>>)
        tpu.yield
      }) : () -> ()
    } else {
    }
    %get3A = arith.constant 0 : index
    %get3A_98 = tpu.vector_load %arg20[%get3A] {strides = array<i32>} : memref<32xi32, #tpu.memory_space<vmem>>, vector<16xi32>,
    %get3A_99 = vector.shape_cast %get3A_98 : vector<16xi32> to vector<16xi32>
    %max3A = arith.constant 1 : i32
    %max3A_100 = vector.broadcast %max3A : i32 to vector<16xi32>
    %max3A_101 = arith.maxsi %sub3A_87, %max3A_100 : vector<16xi32>
    %sub3A_102 = arith.constant 1 : i32
    %sub3A_103 = vector.broadcast %sub3A_102 : i32 to vector<16xi32>
    %sub3A_104 = arith.subi %max3A_101, %sub3A_103 : vector<16xi32>
    %min3A_105 = arith.minsi %get3A_99, %sub3A_104 : vector<16xi32>
    %add3A_106 = arith.addi %scan3A_85#0, %min3A_105 : vector<16xi32>
    %max3A_107 = arith.constant 0 : i32
    %max3A_108 = vector.broadcast %max3A_107 : i32 to vector<16xi32>
    %max3A_109 = arith.maxsi %add3A_106, %max3A_108 : vector<16xi32>
    %min3A_110 = arith.constant 99999 : i32
    %min3A_111 = vector.broadcast %min3A_110 : i32 to vector<16xi32>
    %min3A_112 = arith.minsi %max3A_109, %min3A_111 : vector<16xi32>
    %swap3A = arith.constant 0 : index
    %swap3A_113 = tpu.vector_load %arg18[%swap3A] {strides = array<i32>} : memref<32xi32, #tpu.memory_space<vmem>>, vector<16xi32>,
    %swap3A_114 = vector.shape_cast %swap3A_113 : vector<16xi32> to vector<16xi32>
    %swap3A_115 = vector.shape_cast %min3A_112 : vector<16xi32> to vector<16xi32>
    tpu.vector_store %arg18[%swap3A], %swap3A_115 {strides = array<i32>} : memref<32xi32, #tpu.memory_space<vmem>>, vector<16xi32>,
    %convert_element_type3A_116 = arith.sitofp %max3A_101 : vector<16xi32> to vector<16xf32>
    %div3A_117 = arith.constant 1.000000e+00 : f32
    %div3A_118 = vector.broadcast %div3A_117 : f32 to vector<16xf32>
    %div3A_119 = arith.divf %div3A_118, %convert_element_type3A_116 : vector<16xf32>
    %swap3A_120 = arith.constant 0 : index
    %swap3A_121 = tpu.vector_load %arg21[%swap3A_120] {strides = array<i32>} : memref<32xf32, #tpu.memory_space<vmem>>, vector<16xf32>,
    %swap3A_122 = vector.shape_cast %swap3A_121 : vector<16xf32> to vector<16xf32>
    %swap3A_123 = vector.shape_cast %div3A_119 : vector<16xf32> to vector<16xf32>
    tpu.vector_store %arg21[%swap3A_120], %swap3A_123 {strides = array<i32>} : memref<32xf32, #tpu.memory_space<vmem>>, vector<16xf32>,
    %get3A_124 = arith.constant 16 : index
    %get3A_125 = tpu.vector_load %arg20[%get3A_124] {strides = array<i32>} : memref<32xi32, #tpu.memory_space<vmem>>, vector<16xi32>,
    %get3A_126 = vector.shape_cast %get3A_125 : vector<16xi32> to vector<16xi32>
    %max3A_127 = arith.constant 1 : i32
    %max3A_128 = vector.broadcast %max3A_127 : i32 to vector<16xi32>
    %max3A_129 = arith.maxsi %sub3A_88, %max3A_128 : vector<16xi32>
    %sub3A_130 = arith.constant 1 : i32
    %sub3A_131 = vector.broadcast %sub3A_130 : i32 to vector<16xi32>
    %sub3A_132 = arith.subi %max3A_129, %sub3A_131 : vector<16xi32>
    %min3A_133 = arith.minsi %get3A_126, %sub3A_132 : vector<16xi32>
    %add3A_134 = arith.addi %scan3A_85#1, %min3A_133 : vector<16xi32>
    %max3A_135 = arith.constant 0 : i32
    %max3A_136 = vector.broadcast %max3A_135 : i32 to vector<16xi32>
    %max3A_137 = arith.maxsi %add3A_134, %max3A_136 : vector<16xi32>
    %min3A_138 = arith.constant 99999 : i32
    %min3A_139 = vector.broadcast %min3A_138 : i32 to vector<16xi32>
    %min3A_140 = arith.minsi %max3A_137, %min3A_139 : vector<16xi32>
    %swap3A_141 = arith.constant 16 : index
    %swap3A_142 = tpu.vector_load %arg18[%swap3A_141] {strides = array<i32>} : memref<32xi32, #tpu.memory_space<vmem>>, vector<16xi32>,
    %swap3A_143 = vector.shape_cast %swap3A_142 : vector<16xi32> to vector<16xi32>
    %swap3A_144 = vector.shape_cast %min3A_140 : vector<16xi32> to vector<16xi32>
    tpu.vector_store %arg18[%swap3A_141], %swap3A_144 {strides = array<i32>} : memref<32xi32, #tpu.memory_space<vmem>>, vector<16xi32>,
    %convert_element_type3A_145 = arith.sitofp %max3A_129 : vector<16xi32> to vector<16xf32>
    %div3A_146 = arith.constant 1.000000e+00 : f32
    %div3A_147 = vector.broadcast %div3A_146 : f32 to vector<16xf32>
    %div3A_148 = arith.divf %div3A_147, %convert_element_type3A_145 : vector<16xf32>
    %swap3A_149 = arith.constant 16 : index
    %swap3A_150 = tpu.vector_load %arg21[%swap3A_149] {strides = array<i32>} : memref<32xf32, #tpu.memory_space<vmem>>, vector<16xf32>,
    %swap3A_151 = vector.shape_cast %swap3A_150 : vector<16xf32> to vector<16xf32>
    %swap3A_152 = vector.shape_cast %div3A_148 : vector<16xf32> to vector<16xf32>
    tpu.vector_store %arg21[%swap3A_149], %swap3A_152 {strides = array<i32>} : memref<32xf32, #tpu.memory_space<vmem>>, vector<16xf32>,
    %dma_start3A_153 = arith.constant 0 : i32
    %dma_start3A_154 = arith.constant 0 : i32
    %dma_start3A_155 = tpu.memref_slice %arg2[%dma_start3A_153, %dma_start3A_154] : memref<100000x128xf32, #tpu.memory_space<hbm>> -> memref<100000x128xf32, #tpu.memory_space<hbm>>
    tpu.enqueue_indirect_dma source(%dma_start3A_155 : memref<100000x128xf32, #tpu.memory_space<hbm>>) target(%arg19 : memref<32x128xf32, #tpu.memory_space<vmem>>) offsets(%arg18 : memref<32xi32, #tpu.memory_space<vmem>>) semaphore(%arg24 : memref<!tpu.dma_semaphore, #tpu.memory_space<semaphore_mem>>)
    %dma_wait3A = arith.constant 0 : i32
    %dma_wait3A_156 = arith.constant 0 : i32
    %dma_wait3A_157 = tpu.memref_slice %arg2[%dma_wait3A, %dma_wait3A_156] : memref<100000x128xf32, #tpu.memory_space<hbm>> -> memref<100000x128xf32, #tpu.memory_space<hbm>>
    tpu.wait_indirect_dma semaphore(%arg24 : memref<!tpu.dma_semaphore, #tpu.memory_space<semaphore_mem>>) src(%dma_wait3A_157 : memref<100000x128xf32, #tpu.memory_space<hbm>>) dst(%arg19 : memref<32x128xf32, #tpu.memory_space<vmem>>)
    "tpu.region"() ({
      %run_scoped3A = tpu.sem_alloc : memref<!tpu.dma_semaphore, #tpu.memory_space<semaphore_mem>>
      %dma_start3A_166 = arith.constant 0 : i32
      %dma_start3A_167 = tpu.memref_slice %arg8[%mul3A_41, %dma_start3A_166] : memref<1024x128xf32, #tpu.memory_space<hbm>> -> memref<32x128xf32, #tpu.memory_space<hbm>>
      %dma_start3A_168 = arith.constant 0 : i32
      %dma_start3A_169 = tpu.memref_slice %arg8[%mul3A_41, %dma_start3A_168] : memref<1024x128xf32, #tpu.memory_space<hbm>> -> memref<32x128xf32, #tpu.memory_space<hbm>>
      tpu.enqueue_dma source(%arg19 : memref<32x128xf32, #tpu.memory_space<vmem>>) target(%dma_start3A_169 : memref<32x128xf32, #tpu.memory_space<hbm>>) target_semaphore(%run_scoped3A : memref<!tpu.dma_semaphore, #tpu.memory_space<semaphore_mem>>)
      %dma_wait3A_170 = arith.constant 0 : i32
      %dma_wait3A_171 = tpu.memref_slice %arg8[%mul3A_41, %dma_wait3A_170] : memref<1024x128xf32, #tpu.memory_space<hbm>> -> memref<32x128xf32, #tpu.memory_space<hbm>>
      %dma_wait3A_172 = arith.constant 0 : i32
      %dma_wait3A_173 = tpu.memref_slice %arg8[%mul3A_41, %dma_wait3A_172] : memref<1024x128xf32, #tpu.memory_space<hbm>> -> memref<32x128xf32, #tpu.memory_space<hbm>>
      tpu.wait_dma2 semaphore(%run_scoped3A : memref<!tpu.dma_semaphore, #tpu.memory_space<semaphore_mem>>) src(%arg19 : memref<32x128xf32, #tpu.memory_space<vmem>>) dst(%dma_wait3A_173 : memref<32x128xf32, #tpu.memory_space<hbm>>)
      tpu.yield
    }) : () -> ()
    %mul3A_158 = arith.constant 512 : i32
    %mul3A_159 = arith.muli %arg0, %mul3A_158 : i32
    %add3A_160 = arith.addi %mul3A_159, %sub3A_60 : i32
    "tpu.region"() ({
      %run_scoped3A = tpu.sem_alloc : memref<!tpu.dma_semaphore, #tpu.memory_space<semaphore_mem>>
      %dma_start3A_166 = tpu.memref_slice %arg7[%add3A_160] : memref<1024xf32, #tpu.memory_space<hbm>> -> memref<32xf32, #tpu.memory_space<hbm>>
      %dma_start3A_167 = tpu.memref_slice %arg7[%add3A_160] : memref<1024xf32, #tpu.memory_space<hbm>> -> memref<32xf32, #tpu.memory_space<hbm>>
      tpu.enqueue_dma source(%arg21 : memref<32xf32, #tpu.memory_space<vmem>>) target(%dma_start3A_167 : memref<32xf32, #tpu.memory_space<hbm>>) target_semaphore(%run_scoped3A : memref<!tpu.dma_semaphore, #tpu.memory_space<semaphore_mem>>)
      %dma_wait3A_168 = tpu.memref_slice %arg7[%add3A_160] : memref<1024xf32, #tpu.memory_space<hbm>> -> memref<32xf32, #tpu.memory_space<hbm>>
      %dma_wait3A_169 = tpu.memref_slice %arg7[%add3A_160] : memref<1024xf32, #tpu.memory_space<hbm>> -> memref<32xf32, #tpu.memory_space<hbm>>
      tpu.wait_dma2 semaphore(%run_scoped3A : memref<!tpu.dma_semaphore, #tpu.memory_space<semaphore_mem>>) src(%arg21 : memref<32xf32, #tpu.memory_space<vmem>>) dst(%dma_wait3A_169 : memref<32xf32, #tpu.memory_space<hbm>>)
      tpu.yield
    }) : () -> ()
    %barrier3A_161 = arith.constant 0 : index
    tpu.barrier barrier_id(%barrier3A_161)
    %mul3A_162 = arith.constant 32 : i32
    %mul3A_163 = arith.muli %arg1, %mul3A_162 : i32
    "tpu.region"() ({
      %run_scoped3A = tpu.sem_alloc : memref<!tpu.dma_semaphore, #tpu.memory_space<semaphore_mem>>
      %dma_start3A_166 = arith.constant 0 : i32
      %dma_start3A_167 = arith.constant 0 : i32
      %dma_start3A_168 = tpu.memref_slice %arg10[%dma_start3A_166, %dma_start3A_167] : memref<120x128xf32, #tpu.memory_space<vmem>> -> memref<32x128xf32, #tpu.memory_space<vmem>>
      %dma_start3A_169 = arith.constant 0 : i32
      %dma_start3A_170 = tpu.memref_slice %arg9[%mul3A_163, %dma_start3A_169] : memref<512x128xf32, #tpu.memory_space<vmem_shared>> -> memref<32x128xf32, #tpu.memory_space<vmem_shared>>
      %dma_start3A_171 = arith.constant 0 : i32
      %dma_start3A_172 = arith.constant 0 : i32
      %dma_start3A_173 = tpu.memref_slice %arg10[%dma_start3A_171, %dma_start3A_172] : memref<120x128xf32, #tpu.memory_space<vmem>> -> memref<32x128xf32, #tpu.memory_space<vmem>>
      %dma_start3A_174 = arith.constant 0 : i32
      %dma_start3A_175 = tpu.memref_slice %arg9[%mul3A_163, %dma_start3A_174] : memref<512x128xf32, #tpu.memory_space<vmem_shared>> -> memref<32x128xf32, #tpu.memory_space<vmem_shared>>
      tpu.enqueue_dma source(%dma_start3A_175 : memref<32x128xf32, #tpu.memory_space<vmem_shared>>) target(%dma_start3A_173 : memref<32x128xf32, #tpu.memory_space<vmem>>) target_semaphore(%run_scoped3A : memref<!tpu.dma_semaphore, #tpu.memory_space<semaphore_mem>>)
      %dma_wait3A_176 = arith.constant 0 : i32
      %dma_wait3A_177 = arith.constant 0 : i32
      %dma_wait3A_178 = tpu.memref_slice %arg10[%dma_wait3A_176, %dma_wait3A_177] : memref<120x128xf32, #tpu.memory_space<vmem>> -> memref<32x128xf32, #tpu.memory_space<vmem>>
      %dma_wait3A_179 = arith.constant 0 : i32
      %dma_wait3A_180 = tpu.memref_slice %arg9[%mul3A_163, %dma_wait3A_179] : memref<512x128xf32, #tpu.memory_space<vmem_shared>> -> memref<32x128xf32, #tpu.memory_space<vmem_shared>>
      %dma_wait3A_181 = arith.constant 0 : i32
      %dma_wait3A_182 = arith.constant 0 : i32
      %dma_wait3A_183 = tpu.memref_slice %arg10[%dma_wait3A_181, %dma_wait3A_182] : memref<120x128xf32, #tpu.memory_space<vmem>> -> memref<32x128xf32, #tpu.memory_space<vmem>>
      %dma_wait3A_184 = arith.constant 0 : i32
      %dma_wait3A_185 = tpu.memref_slice %arg9[%mul3A_163, %dma_wait3A_184] : memref<512x128xf32, #tpu.memory_space<vmem_shared>> -> memref<32x128xf32, #tpu.memory_space<vmem_shared>>
      tpu.wait_dma2 semaphore(%run_scoped3A : memref<!tpu.dma_semaphore, #tpu.memory_space<semaphore_mem>>) src(%dma_wait3A_185 : memref<32x128xf32, #tpu.memory_space<vmem_shared>>) dst(%dma_wait3A_183 : memref<32x128xf32, #tpu.memory_space<vmem>>)
      tpu.yield
    }) : () -> ()
    %mul3A_164 = arith.constant 32 : i32
    %mul3A_165 = arith.muli %arg1, %mul3A_164 : i32
    "tpu.region"() ({
      %run_scoped3A = tpu.sem_alloc : memref<!tpu.dma_semaphore, #tpu.memory_space<semaphore_mem>>
      %dma_start3A_166 = arith.constant 0 : i32
      %dma_start3A_167 = arith.constant 0 : i32
      %dma_start3A_168 = tpu.memref_slice %arg10[%dma_start3A_166, %dma_start3A_167] : memref<120x128xf32, #tpu.memory_space<vmem>> -> memref<32x128xf32, #tpu.memory_space<vmem>>
      %dma_start3A_169 = arith.constant 0 : i32
      %dma_start3A_170 = tpu.memref_slice %arg6[%arg0, %mul3A_165, %dma_start3A_169] : memref<2x512x128xf32, #tpu.memory_space<hbm>> -> memref<1x32x128xf32, #tpu.memory_space<hbm>>
      %dma_start3A_171 = tpu.memref_squeeze %dma_start3A_170 : memref<1x32x128xf32, #tpu.memory_space<hbm>> -> memref<32x128xf32, #tpu.memory_space<hbm>>
      %dma_start3A_172 = arith.constant 0 : i32
      %dma_start3A_173 = tpu.memref_slice %arg6[%arg0, %mul3A_165, %dma_start3A_172] : memref<2x512x128xf32, #tpu.memory_space<hbm>> -> memref<1x32x128xf32, #tpu.memory_space<hbm>>
      %dma_start3A_174 = tpu.memref_squeeze %dma_start3A_173 : memref<1x32x128xf32, #tpu.memory_space<hbm>> -> memref<32x128xf32, #tpu.memory_space<hbm>>
      %dma_start3A_175 = arith.constant 0 : i32
      %dma_start3A_176 = arith.constant 0 : i32
      %dma_start3A_177 = tpu.memref_slice %arg10[%dma_start3A_175, %dma_start3A_176] : memref<120x128xf32, #tpu.memory_space<vmem>> -> memref<32x128xf32, #tpu.memory_space<vmem>>
      tpu.enqueue_dma source(%dma_start3A_177 : memref<32x128xf32, #tpu.memory_space<vmem>>) target(%dma_start3A_174 : memref<32x128xf32, #tpu.memory_space<hbm>>) target_semaphore(%run_scoped3A : memref<!tpu.dma_semaphore, #tpu.memory_space<semaphore_mem>>)
      %dma_wait3A_178 = arith.constant 0 : i32
      %dma_wait3A_179 = arith.constant 0 : i32
      %dma_wait3A_180 = tpu.memref_slice %arg10[%dma_wait3A_178, %dma_wait3A_179] : memref<120x128xf32, #tpu.memory_space<vmem>> -> memref<32x128xf32, #tpu.memory_space<vmem>>
      %dma_wait3A_181 = arith.constant 0 : i32
      %dma_wait3A_182 = tpu.memref_slice %arg6[%arg0, %mul3A_165, %dma_wait3A_181] : memref<2x512x128xf32, #tpu.memory_space<hbm>> -> memref<1x32x128xf32, #tpu.memory_space<hbm>>
      %dma_wait3A_183 = tpu.memref_squeeze %dma_wait3A_182 : memref<1x32x128xf32, #tpu.memory_space<hbm>> -> memref<32x128xf32, #tpu.memory_space<hbm>>
      %dma_wait3A_184 = arith.constant 0 : i32
      %dma_wait3A_185 = tpu.memref_slice %arg6[%arg0, %mul3A_165, %dma_wait3A_184] : memref<2x512x128xf32, #tpu.memory_space<hbm>> -> memref<1x32x128xf32, #tpu.memory_space<hbm>>
      %dma_wait3A_186 = tpu.memref_squeeze %dma_wait3A_185 : memref<1x32x128xf32, #tpu.memory_space<hbm>> -> memref<32x128xf32, #tpu.memory_space<hbm>>
      %dma_wait3A_187 = arith.constant 0 : i32
      %dma_wait3A_188 = arith.constant 0 : i32
      %dma_wait3A_189 = tpu.memref_slice %arg10[%dma_wait3A_187, %dma_wait3A_188] : memref<120x128xf32, #tpu.memory_space<vmem>> -> memref<32x128xf32, #tpu.memory_space<vmem>>
      tpu.wait_dma2 semaphore(%run_scoped3A : memref<!tpu.dma_semaphore, #tpu.memory_space<semaphore_mem>>) src(%dma_wait3A_189 : memref<32x128xf32, #tpu.memory_space<vmem>>) dst(%dma_wait3A_186 : memref<32x128xf32, #tpu.memory_space<hbm>>)
      tpu.yield
    }) : () -> ()
    return
  }
}

module attributes {stable_mosaic.version = 14 : i64} {
  func.func @_tc_body(%arg0: memref<2x512x128xf32, #tpu.memory_space<vmem>>, %arg1: memref<512x1xf32, #tpu.memory_space<vmem>>, %arg2: memref<1024x128xf32, #tpu.memory_space<vmem>>, %arg3: memref<384x128xf32, #tpu.memory_space<vmem>>, %arg4: memref<1x128xf32, #tpu.memory_space<vmem>>, %arg5: memref<512x128xf32, #tpu.memory_space<vmem>>) attributes {dimension_semantics = [], scalar_prefetch = 0 : i64, scratch_operands = 0 : i64, tpu.core_type = #tpu.core_type<tc>} {
    %get3A = arith.constant 0 : index
    %get3A_0 = arith.constant 0 : index
    %get3A_1 = arith.constant 0 : index
    %get3A_2 = vector.load %arg0[%get3A, %get3A_0, %get3A_1] : memref<2x512x128xf32, #tpu.memory_space<vmem>>, vector<1x512x128xf32>
    %get3A_3 = vector.shape_cast %get3A_2 : vector<1x512x128xf32> to vector<512x128xf32>
    %get3A_4 = arith.constant 1 : index
    %get3A_5 = arith.constant 0 : index
    %get3A_6 = arith.constant 0 : index
    %get3A_7 = vector.load %arg0[%get3A_4, %get3A_5, %get3A_6] : memref<2x512x128xf32, #tpu.memory_space<vmem>>, vector<1x512x128xf32>
    %get3A_8 = vector.shape_cast %get3A_7 : vector<1x512x128xf32> to vector<512x128xf32>
    %add3A = arith.addf %get3A_3, %get3A_8 : vector<512x128xf32>
    %get3A_9 = arith.constant 0 : index
    %get3A_10 = arith.constant 0 : index
    %get3A_11 = vector.load %arg1[%get3A_9, %get3A_10] : memref<512x1xf32, #tpu.memory_space<vmem>>, vector<512x1xf32>
    %mul3A = vector.broadcast %get3A_11 : vector<512x1xf32> to vector<512x128xf32>
    %mul3A_12 = arith.mulf %add3A, %mul3A : vector<512x128xf32>
    %get3A_13 = arith.constant 0 : index
    %get3A_14 = arith.constant 0 : index
    %get3A_15 = vector.load %arg2[%get3A_13, %get3A_14] : memref<1024x128xf32, #tpu.memory_space<vmem>>, vector<512x128xf32>
    %get3A_16 = arith.constant 512 : index
    %get3A_17 = arith.constant 0 : index
    %get3A_18 = vector.load %arg2[%get3A_16, %get3A_17] : memref<1024x128xf32, #tpu.memory_space<vmem>>, vector<512x128xf32>
    %get3A_19 = arith.constant 0 : index
    %get3A_20 = arith.constant 0 : index
    %get3A_21 = vector.load %arg3[%get3A_19, %get3A_20] : memref<384x128xf32, #tpu.memory_space<vmem>>, vector<128x128xf32>
    %dot_general3A = arith.constant dense<0.000000e+00> : vector<512x128xf32>
    %dot_general3A_22 = tpu.matmul %get3A_15, %get3A_21, %dot_general3A {dimension_numbers = #tpu.dot_dimension_numbers<[1], [0], [0], [1], [0, 0, 1, 1], [], []>, transpose_lhs_hint = false} : vector<512x128xf32>, vector<128x128xf32>, vector<512x128xf32> -> vector<512x128xf32>
    %get3A_23 = arith.constant 128 : index
    %get3A_24 = arith.constant 0 : index
    %get3A_25 = vector.load %arg3[%get3A_23, %get3A_24] : memref<384x128xf32, #tpu.memory_space<vmem>>, vector<128x128xf32>
    %dot_general3A_26 = arith.constant dense<0.000000e+00> : vector<512x128xf32>
    %dot_general3A_27 = tpu.matmul %get3A_18, %get3A_25, %dot_general3A_26 {dimension_numbers = #tpu.dot_dimension_numbers<[1], [0], [0], [1], [0, 0, 1, 1], [], []>, transpose_lhs_hint = false} : vector<512x128xf32>, vector<128x128xf32>, vector<512x128xf32> -> vector<512x128xf32>
    %add3A_28 = arith.addf %dot_general3A_22, %dot_general3A_27 : vector<512x128xf32>
    %get3A_29 = arith.constant 256 : index
    %get3A_30 = arith.constant 0 : index
    %get3A_31 = vector.load %arg3[%get3A_29, %get3A_30] : memref<384x128xf32, #tpu.memory_space<vmem>>, vector<128x128xf32>
    %dot_general3A_32 = arith.constant dense<0.000000e+00> : vector<512x128xf32>
    %dot_general3A_33 = tpu.matmul %mul3A_12, %get3A_31, %dot_general3A_32 {dimension_numbers = #tpu.dot_dimension_numbers<[1], [0], [0], [1], [0, 0, 1, 1], [], []>, transpose_lhs_hint = false} : vector<512x128xf32>, vector<128x128xf32>, vector<512x128xf32> -> vector<512x128xf32>
    %add3A_34 = arith.addf %add3A_28, %dot_general3A_33 : vector<512x128xf32>
    %get3A_35 = arith.constant 0 : index
    %get3A_36 = arith.constant 0 : index
    %get3A_37 = vector.load %arg4[%get3A_35, %get3A_36] : memref<1x128xf32, #tpu.memory_space<vmem>>, vector<1x128xf32>
    %add3A_38 = vector.broadcast %get3A_37 : vector<1x128xf32> to vector<512x128xf32>
    %add3A_39 = arith.addf %add3A_34, %add3A_38 : vector<512x128xf32>
    %swap3A = arith.constant 0 : index
    %swap3A_40 = arith.constant 0 : index
    %swap3A_41 = vector.load %arg5[%swap3A, %swap3A_40] : memref<512x128xf32, #tpu.memory_space<vmem>>, vector<512x128xf32>
    tpu.vector_store %arg5[%swap3A, %swap3A_40], %add3A_39 {strides = array<i32>} : memref<512x128xf32, #tpu.memory_space<vmem>>, vector<512x128xf32>,
    return
  }
}

</mosaic_0001>

<sc_bundles>
// kernel: kernel.4.cloned.1.call-start
scs
__scs_entry_jumppad:
0x0: {  	(pc) =	sbr.rel $0x88, $3  }
0x1: {  	(tag) =	ssettag $0x0;
	lr =	simm.s32 $0x1  }
0x2: {  	[smem:$0x3F9C] =	sst lr;
	_ =	strace $0xD0000000  }
0x3: {  	_ = 	snop  }
0x4: {  	_ = 	snop  }
0x5: {  	_ = 	snop  }
0x6: {  	_ = 	snop  }
0x7: {  	_ = 	snop  }
__scs_overlays_trampoline_lowered:
0x8: {  	[smem:$0x3FAB] =	sst s0  }
0x9: {  	[smem:$0x3FAC] =	sst s1  }
0xa: {  	[smem:$0x3FAD] =	sst s2  }
0xb: {  	[smem:$0x3FAE] =	sst s3  }
0xc: {  	[smem:$0x3FAF] =	sst s4  }
0xd: {  	[smem:$0x3FB0] =	sst s5  }
0xe: {  	[smem:$0x3FB1] =	sst s6  }
0xf: {  	[smem:$0x3FB2] =	sst s7  }
0x10: {  	[smem:$0x3FB3] =	sst s8  }
0x11: {  	[smem:$0x3FB4] =	sst s9;
	s0 =	simm.s32 @!p0 $0x0  }
0x12: {  	s1 =	sld [smem:$0x3F9A];
	s0 =	simm.s32 @p0 $0x1  }
0x13: {  	[smem:$0x3FB5] =	sst s0;
	s0 =	simm.s32 @!p1 $0x0  }
0x14: {  	s2 =	sld [smem:$0x3F99];
	s0 =	simm.s32 @p1 $0x1  }
0x15: {  	[smem:$0x3FB6] =	sst s0;
	s0 =	simm.s32 @!p2 $0x0  }
0x16: {  	s3 =	sld [smem:$0x3FDB];
	s0 =	simm.s32 @p2 $0x1  }
0x17: {  	s4 =	simm.s32 $0x1BF5;
	[smem:$0x3FB8] =	sst s0  }
0x18: {  	s0 =	sld [smem:$0x3F9B];
	_ =	swait.ge [sflag:s4], $0x0  }
0x19: {  	s7 =	sld [smem:$0x3F9C]  }
0x1a: {  	s8 =	sadd.s32 $0xFFFFE003, lr  }
0x1b: {  	s9 =	sadd.s32 $0xFFFFFEF7, lr;
	s5 =	simm.s32 $0xFFFFFFFF;
	p2 =	slt.u32 s8, $0xFFFFF086  }
0x1c: {  	p1 =	slt.u32 s9, $0xF7A;
	s5 =	simm.s32 @!p2 $0x0  }
0x1d: {  	s5 =	simm.s32 @p1 $0x1;
	p0 =	seq.s32 s7, s2  }
0x1e: {  	s7 =	smul.u32 @!p0 $0xF7A, s2;
	p2 =	seq.s32 @!p0 s5, $0x0  }
0x1f: {  	s9 =	smul.u32 $0xF7A, s1;
	s8 =	simm.s32 @!p0 $0x1BF5;
	p2 =	por !p2, p0  }
0x20: {  	[sflag:s8] =	ssyncset.s32 @!p0 $0xFFFFF086;
	s6 =	sadd.s32 @!p0 s3, s7;
	s7 =	simm.s32 @!p0 $0x108  }
0x21: {  	s3 =	sadd.s32 s3, s9;
	s6 =	sadd.s32 @!p0 $0x88, s6;
	s7 =	simm.s32 @p2 $0x1082  }
0x22: {  	[simem:s7], [sflag:s8] =	dma.local @!p0 [hbm:s6], $0xF7A  }
0x23: {  	s9 =	sor.u32 $0xD0000000, s2;
	s6 =	simm.s32 $0x108;
	_ =	swait.ge @!p0 [sflag:s8], $0x0  }
0x24: {  	s3 =	sadd.s32 $0x88, s3;
	s6 =	simm.s32 @!p1 $0x1082;
	[sflag:s4] =	ssyncset.s32 $0xFFFFF086  }
0x25: {  	[simem:s6], [sflag:s4] =	dma.local [hbm:s3], $0xF7A  }
0x26: {  	[smem:$0x3F9C] =	sst s1;
	(tag) =	ssettag s2;
	_ =	strace s9  }
0x27: {  	s1 =	sld [smem:$0x3FAC]  }
0x28: {  	s2 =	sld [smem:$0x3FAD]  }
0x29: {  	s4 =	sld [smem:$0x3FAF]  }
0x2a: {  	p0 =	seq.s32 s5, $0x0;
	s5 =	sld [smem:$0x3FB0]  }
0x2b: {  	s6 =	sld [smem:$0x3FB1]  }
0x2c: {  	s7 =	sld [smem:$0x3FB2]  }
0x2d: {  	s3 =	simm.s32 $0x108;
	s8 =	sld [smem:$0x3FB3]  }
0x2e: {  	s3 =	simm.s32 @!p0 $0x1082;
	s9 =	sld [smem:$0x3FB4]  }
0x2f: {  	lr =	sadd.s32 s0, s3;
	s0 =	sld [smem:$0x3FAB]  }
0x30: {  	s3 =	sld [smem:$0x3FAE]  }
0x31: {  	[smem:$0x3FB7] =	sst s10  }
0x32: {  	s10 =	sld [smem:$0x3FB5];
	_ =	sdelay $0x3  }
0x33: {  	p0 =	seq.s32 s10, $0x1;
	s10 =	sld [smem:$0x3FB7];
	_ =	sdelay $0x3  }
0x34: {  	[smem:$0x3FB7] =	sst s10  }
0x35: {  	s10 =	sld [smem:$0x3FB6];
	_ =	sdelay $0x3  }
0x36: {  	p1 =	seq.s32 s10, $0x1;
	s10 =	sld [smem:$0x3FB7];
	_ =	sdelay $0x3  }
0x37: {  	[smem:$0x3FB7] =	sst s10  }
0x38: {  	s10 =	sld [smem:$0x3FB8]  }
0x39: {  	_ = 	snop;
	(pc) =	sbr.ind lr, $3  }
0x3a: {  	_ = 	snop  }
0x3b: {  	_ = 	snop  }
0x3c: {  	p2 =	seq.s32 s10, $0x1;
	s10 =	sld [smem:$0x3FB7]  }
0x3d: {  	_ =	shalt  }
0x3e: {  	_ =	shalt  }
0x3f: {  	_ =	shalt  }
0x40: {  	_ =	shalt  }
0x41: {  	_ =	shalt  }
0x42: {  	_ =	shalt  }
0x43: {  	_ =	shalt  }
0x44: {  	_ =	shalt  }
0x45: {  	_ =	shalt  }
0x46: {  	_ =	shalt  }
0x47: {  	_ =	shalt  }
0x48: {  	_ =	shalt  }
0x49: {  	_ =	shalt  }
0x4a: {  	_ =	shalt  }
0x4b: {  	_ =	shalt  }
0x4c: {  	_ =	shalt  }
0x4d: {  	_ =	shalt  }
0x4e: {  	_ =	shalt  }
0x4f: {  	_ =	shalt  }
0x50: {  	_ =	shalt  }
0x51: {  	_ =	shalt  }
0x52: {  	_ =	shalt  }
0x53: {  	_ =	shalt  }
0x54: {  	_ =	shalt  }
0x55: {  	_ =	shalt  }
0x56: {  	_ =	shalt  }
0x57: {  	_ =	shalt  }
0x58: {  	_ =	shalt  }
0x59: {  	_ =	shalt  }
0x5a: {  	_ =	shalt  }
0x5b: {  	_ =	shalt  }
0x5c: {  	_ =	shalt  }
0x5d: {  	_ =	shalt  }
0x5e: {  	_ =	shalt  }
0x5f: {  	_ =	shalt  }
0x60: {  	_ =	shalt  }
0x61: {  	_ =	shalt  }
0x62: {  	_ =	shalt  }
0x63: {  	_ =	shalt  }
0x64: {  	_ =	shalt  }
0x65: {  	_ =	shalt  }
0x66: {  	_ =	shalt  }
0x67: {  	_ =	shalt  }
0x68: {  	_ =	shalt  }
0x69: {  	_ =	shalt  }
0x6a: {  	_ =	shalt  }
0x6b: {  	_ =	shalt  }
0x6c: {  	_ =	shalt  }
0x6d: {  	_ =	shalt  }
0x6e: {  	_ =	shalt  }
0x6f: {  	_ =	shalt  }
0x70: {  	_ =	shalt  }
0x71: {  	_ =	shalt  }
0x72: {  	_ =	shalt  }
0x73: {  	_ =	shalt  }
0x74: {  	_ =	shalt  }
0x75: {  	_ =	shalt  }
0x76: {  	_ =	shalt  }
0x77: {  	_ =	shalt  }
0x78: {  	_ =	shalt  }
0x79: {  	_ =	shalt  }
0x7a: {  	_ =	shalt  }
0x7b: {  	_ =	shalt  }
0x7c: {  	_ =	shalt  }
0x7d: {  	_ =	shalt  }
0x7e: {  	_ =	shalt  }
0x7f: {  	_ =	shalt  }
0x80: {  	_ =	shalt  }
0x81: {  	_ =	shalt  }
0x82: {  	_ =	shalt  }
0x83: {  	_ =	shalt  }
0x84: {  	_ =	shalt  }
0x85: {  	_ =	shalt  }
0x86: {  	_ =	shalt  }
0x87: {  	_ =	shalt  }
.Lfunc_end0:
.L_simem_size_0:
called_computation_lowered:
.L_overlay_start_0:
0x88: {  	s2 =	sld [smem:$0x3FD9]  }
0x89: {  	s3 =	sld [smem:$0x3FFE];
	_ =	sdelay $0x1  }
0x8a: {  	s1 =	srdreg.scid  }
0x8b: {  	s0 =	sand.u32 $0x1, s1  }
0x8c: {  	s17 =	sshll.u32 s0, $0xA;
	s2 =	sadd.s32 s3, s2  }
0x8d: {  	s2 =	sadd.s32 s2, s17  }
0x8e: {  	[smem:$0x3FC3] =	sst s2  }
0x8f: {  	_ = 	snop  }
0x90: {  	s2 =	sld [smem:$0x3FC9]  }
0x91: {  	s18 =	sld [smem:$0x3FC8]  }
0x92: {  	s4 =	sld [smem:$0x3FD0];
	(tm) =	ssettm $0x1  }
0x93: {  	s5 =	sld [smem:$0x3FFB];
	_ =	sdelay $0x3  }
0x94: {  	_ =	strace s5  }
0x95: {  	s5 =	sld [smem:$0x3FFC];
	_ =	sdelay $0x3  }
0x96: {  	_ =	strace s5  }
0x97: {  	s5 =	sld [smem:$0x3FFD];
	_ =	sdelay $0x3  }
0x98: {  	_ =	strace s5  }
0x99: {  	_ =	strace $0x8FFFFFFF  }
0x9a: {  	s19 =	sld [smem:$0x3FDB];
	_ =	sdelay $0x1  }
0x9b: {  	s6 =	simm.s32 $_scs_section_size  }
0x9c: {  	s7 =	simm.s32 $_size__tile_overlayer_lowered;
	s8 =	simm.s32 $_tile_overlayer_lowered  }
0x9d: {  	s22 =	simm.s32 $0x1BFF;
	s21 =	sshll.u32 s8, $0x1;
	s5 =	sadd.s32 s6, s19  }
0x9e: {  	s9 =	simm.s32 $0x0;
	s20 =	sshll.u32 s7, $0x1;
	s7 =	sadd.s32 s21, s5  }
0x9f: {  	[timem:s9], [sflag:s22] =	dma.local [hbm:s7], s20  }
0xa0: {  	_ =	swait.ge [sflag:s22], s20  }
0xa1: {  	s6 =	ssub.s32 $0x0, s20;
	[sflag:s22] =	ssyncset.done $0x0  }
0xa2: {  	[sflag:s22] =	ssyncadd.s32 s6;
	_ =	sdelay $0x1  }
0xa3: {  	s23 =	simm.s32 $0x1B8B  }
0xa4: {  	_ =	swait.ge [sflag:s23], $0x1  }
0xa5: {  	[sflag:s23] =	ssyncset.done $0x0  }
0xa6: {  	s25 =	simm.s32 $0x1B8E;
	s24 =	sld [smem:$0x3FFE];
	[sflag:s23] =	ssyncadd.s32 $0xFFFFFFFF  }
0xa7: {  	s26 =	simm.s32 $execute0_lowered;
	[smem:$0x3FD2] =	sst s25  }
0xa8: {  	s7 =	sshll.u32 s26, $0x1;
	_ =	strace $0x80000046;
	[dreg:$0x1] =	wrdreg $0xFFFFFFFF  }
0xa9: {  	s28 =	simm.s32 $_size_execute0_lowered;
	s5 =	sadd.s32 s5, s7;
	[dreg:$0x0] =	wrdreg $0x0  }
0xaa: {  	s7 =	sshll.u32 s28, $0x1;
	[dreg:$0x2] =	wrdreg s5  }
0xab: {  	[dreg:$0x3] =	wrdreg s7  }
0xac: {  	[dreg:$0x4] =	wrdreg $0xC0  }
0xad: {  	_ =	task [dreg:s9], $0x5FFFF  }
0xae: {  	[dreg:$0x1] =	wrdreg $0xFFFFFFFF  }
0xaf: {  	[dreg:$0x0] =	wrdreg $0x60  }
0xb0: {  	[dreg:$0x2] =	wrdreg s2  }
0xb1: {  	[dreg:$0x3] =	wrdreg s18  }
0xb2: {  	[dreg:$0x4] =	wrdreg s24  }
0xb3: {  	[dreg:$0x5] =	wrdreg s4  }
0xb4: {  	[dreg:$0x6] =	wrdreg $0x0  }
0xb5: {  	[dreg:$0x7] =	wrdreg $0x9  }
0xb6: {  	_ =	task.clear_ibuf [dreg:s9], $0x8FFFF;
	_ =	strace $0x90000046  }
0xb7: {  	s29 =	simm.s32 $0x9;
	_ =	strace $0x80000048  }
0xb8: {  	_ =	swait.ge [sflag:s29], $0x1  }
0xb9: {  	[sflag:s29] =	ssyncadd.s32 $0xFFFFFFFF  }
0xba: {  	_ =	strace $0x90000048  }
0xbb: {  	_ =	sfence  }
0xbc: {  	s30 =	sld [smem:$0x0];
	_ =	sdelay $0x2  }
0xbd: {  	s31 =	sshll.u32 s1, $0xD;
	s1 =	sshrl.u32 s1, $0x2  }
0xbe: {  	s3 =	sand.u32 $0x4000, s31;
	s1 =	sadd.s32 s1, s30  }
0xbf: {  	s0 =	sor.u32 s3, s0;
	s1 =	sshll.u32 s1, $0x11  }
0xc0: {  	s0 =	sor.u32 s1, s0  }
0xc1: {  	s0 =	sadd.s32 $0x8F2B, s0  }
0xc2: {  	[sflag:s0] =	ssyncadd.remote.s32 $0x1  }
0xc3: {  	_ =	sfence.sel $0xFFFF  }
0xc4: {  	[dreg:$0x0] =	wrdreg $0xFFFFFFFF;
	(pc) =	sbr.abs _section_cstart, $3  }
0xc5: {  	[dreg:$0x1] =	wrdreg $0xFFFFFFFF  }
0xc6: {  	_ =	task.clear_ibuf [dreg:s9], $0x2FFFF;
	_ =	strace $0x9FFFFFFF  }
0xc7: {  	(tm) =	ssettm $0x7FFFFFFF  }
tec
execute0_lowered:
.L_overlay_start_1:
0x0: {  	(tag) =	ssettag $0x1  }
0x1: {  	s11 =	rddreg [dreg:$0x0]  }
0x2: {  	s2 =	rddreg [dreg:$0x1]  }
0x3: {  	s0 =	rddreg [dreg:$0x2]  }
0x4: {  	s1 =	rddreg [dreg:$0x3]  }
0x5: {  	s4 =	rddreg [dreg:$0x4];
	s3 =	srdreg.scid;
	s5 =	simm.s32 $0x0  }
0x6: {  	s16 =	stileid.u32;
	s28 =	simm.s32 $0x1;
	s29 =	simm.s32 $0x78  }
0x7: {  	s30 =	simm.s32 $0x2;
	s31 =	simm.s32 $0x40;
	s3 =	sand.u32 $0x1, s3  }
0x8: {  	[smem:$0x7FF] =	sst s5;
	s6 =	sshll.u32 s16, $0x9;
	s13 =	sshll.u32 s16, $0xC  }
0x9: {  	s7 =	sshll.u32 s3, $0x4;
	_ =	strace $0x80000047;
	s8 =	sadd.s32 s6, s0  }
0xa: {  	s20 =	ssub.s32 $0x2, s3;
	s6 =	sadd.s32 s13, s4;
	s15 =	sshll.u32 s3, $0x9  }
0xb: {  	p0 =	seq.s32 s3, $0x0;
	s7 =	sor.u32 s16, s7;
	s12 =	sshrl.u32 s20, $0x1  }
0xc: {  	s19 =	sshll.u32 s7, $0x9;
	s9 =	smul.u32 $0xC30, s7;
	s10 =	smin.u32 s7, $0x14  }
0xd: {  	s18 =	ssub.s32 s20, s12;
	s20 =	sshll.u32 s7, $0x2;
	s17 =	sadd.s32 s19, s0  }
0xe: {  	s14 =	sshll.u32 s10, $0x3;
	s19 =	sshll.u32 s7, $0x5;
	s1 =	sadd.s32 s1, s20  }
0xf: {  	s10 =	sshll.u32 s10, $0x7;
	s18 =	smax.u32 s18, $0x1;
	s9 =	sadd.s32 s9, s14  }
0x10: {  	[dreg:$0xa] =	wrdreg s1;
	s1 =	simm.s32 $0x3;
	s21 =	sshrl.u32 s9, $0x3  }
0x11: {  	s22 =	sshll.u32 s9, $0x4;
	s23 =	sadd.s32 $0x78, s9;
	s9 =	sadd.s32 $0xC30, s9  }
0x12: {  	s12 =	sadd.s32 s2, s21;
	s24 =	sshrl.u32 s23, $0x3;
	s13 =	sshll.u32 s23, $0x4  }
0x13: {  	s26 =	sshrl.u32 s9, $0x3;
	s21 =	ssub.s32 s19, s15;
	s9 =	sshll.u32 s9, $0x4  }
0x14: {  	[dreg:$0x6] =	wrdreg s12;
	s12 =	sadd.s32 s11, s22;
	s25 =	sadd.s32 s11, s13  }
0x15: {  	[dreg:$0x7] =	wrdreg s12;
	s12 =	sadd.s32 s2, s24;
	s24 =	smul.u32 $0xC3000, s3  }
0x16: {  	s22 =	sshll.u32 s3, $0xD;
	[dreg:$0x9] =	wrdreg s25;
	s25 =	smul.u32 $0xC300, s16  }
0x17: {  	s13 =	simm.s32 $0x1400;
	s23 =	sadd.s32 s22, s8;
	s3 =	smul.u32 $0xC300, s3  }
0x18: {  	s13 =	simm.s32 @!p0 $0x1200;
	s16 =	smul.u32 $0xC30, s16;
	p0 =	sgt.u32 s7, $0x13  }
0x19: {  	s22 =	simm.s32 $0x4;
	s7 =	simm.s32 $0x0;
	[dreg:$0x8] =	wrdreg s12  }
0x1a: {  	s0 =	sadd.s32 s13, s0;
	s12 =	sadd.s32 s2, s26;
	s13 =	sadd.s32 s11, s9  }
0x1b: {  	s9 =	sor.u32 $0x10, s21;
	s26 =	sshrl.u32 s21, $0x3;
	s8 =	sadd.s32 s24, s11  }
0x1c: {  	[dreg:$0xb] =	wrdreg s12;
	s3 =	sadd.s32 s16, s3;
	s11 =	sor.u32 $0x1, s21  }
0x1d: {  	v3 =	vlaneseq.u32;
	s12 =	sor.u32 $0x11, s21;
	s16 =	sadd.s32 $0x5600, s17;
	s17 =	sadd.s32 $0x1600, s23  }
0x1e: {  	v0 =	vor.u32 s21, v3;
	s23 =	simm.s32 $0x8800;
	s24 =	simm.s32 $0x1000;
	s21 =	simm.s32 $0x9B00  }
0x1f: {  	s8 =	sadd.s32 s25, s8;
	s3 =	sadd.s32 s14, s3;
	s14 =	sadd.s32 s0, s26  }
0x20: {  	s25 =	simm.s32 $0x8880;
	s15 =	sadd.s32 s10, s8;
	s10 =	sadd.s32 $0x168, s3  }
0x21: {  	v4 =	vimm.f32 $0.0e+00;
	s26 =	simm.s32 $0x4C00;
	s20 =	sadd.s32 $0xF0, s3;
	s0 =	sshrl.u32 s10, $0x3  }
0x22: {  	v1 =	vor.u32 s9, v3;
	v2 =	vadd.s32 s11, v3;
	v3 =	vadd.s32 s12, v3;
	s3 =	simm.s32 $0x9A00;
	s19 =	sadd.s32 s0, s2;
	s0 =	simm.s32 $0x9980  }
.LBB2_1:
0x23: {  	s8 =	sand.u32 $0x3E00, s5  }
0x24: {  	s9 =	sand.u32 $0x70, s5;
	s10 =	sshrl.u32 s8, $0x2  }
0x25: {  	s8 =	simm.s32 $0x40;
	s10 =	sor.u32 s9, s10;
	s9 =	simm.s32 $0x0  }
.LBB2_2:
0x26: {  	p1 =	sne.s32 s8, $0x3FC0  }
0x27: {  	[tilespmem:s10+$0x8980] =	vst v4;
	s9 =	sadd.s32 $0x10, s9;
	s10 =	smov.u32 s8;
	s8 =	sadd.s32 $0x40, s8  }
.Ltmp0:
0x28: {  	(pc) =	sbr.rel @p1 .LBB2_2-.Ltmp0, $4  }
0x29: {  	_ = 	snop  }
0x2a: {  	s10 =	sand.u32 $0x3E00, s10  }
0x2b: {  	s11 =	sand.u32 $0x70, s9;
	s10 =	sshrl.u32 s10, $0x2  }
0x2c: {  	s10 =	sor.u32 s11, s10  }
0x2d: {  	[tilespmem:s10+$0x8980] =	vst v4;
	s8 =	simm.s32 $0x8980  }
0x2e: {  	[spmem:s6] =	stream.linear.scatter [tilespmem:s8], [sflag:$0x4], $0x1000, $0x38;
	[tilespmem:$0xAC00] =	vst v63  }
0x2f: {  	_ =	swait.ge [sflag:s22], $0x1000  }
0x30: {  	[sflag:s22] =	ssyncset.done $0x0  }
0x31: {  	[sflag:s22] =	ssyncadd.s32 $0xFFFFF000  }
0x32: {  	[bflag:$0x0] =	sbarrier.arrive $0xFFFF  }
0x33: {  	s8 =	simm.s32 $0x0;
	s9 =	rddreg [dreg:$0x6]  }
0x34: {  	[tilespmem:s23], [sflag:$0x1] =	stream.linear.gather [hbm4b:s9+s8], $0x78, $0x38;
	[tilespmem:$0xAC00] =	vst v63  }
0x35: {  	s10 =	rddreg [dreg:$0x7]  }
0x36: {  	[tilespmem:s24], [sflag:$0x1] =	stream.linear.gather [hbm4b:s10+s8], $0x3C00, $0x38;
	[tilespmem:$0xAC00] =	vst v63  }
0x37: {  	s11 =	rddreg [dreg:$0x8]  }
0x38: {  	[tilespmem:s25], [sflag:$0x2] =	stream.linear.gather [hbm4b:s11+s8], $0x78, $0x38;
	[tilespmem:$0xAC00] =	vst v63  }
0x39: {  	s12 =	rddreg [dreg:$0x9]  }
0x3a: {  	[tilespmem:s26], [sflag:$0x2] =	stream.linear.gather [hbm4b:s12+s8], $0x3C00, $0x38;
	[tilespmem:$0xAC00] =	vst v63  }
0x3b: {  	_ =	swait.ge [sflag:s28], $0x78  }
0x3c: {  	[sflag:s28] =	ssyncset.done $0x0  }
0x3d: {  	[sflag:s28] =	ssyncadd.s32 $0xFFFFFF88  }
0x3e: {  	_ =	swait.ge [sflag:s28], $0x3C00  }
0x3f: {  	[sflag:s28] =	ssyncset.done $0x0  }
0x40: {  	[sflag:s28] =	ssyncadd.s32 $0xFFFFC400  }
0x41: {  	[spmem:s4] =	stream.indirect.scatter.add.f32 [tilespmem:s24], [sflag:$0x4], $0x80, s23, s29, $0xb8;
	[tilespmem:$0xAC00] =	vst v63  }
0x42: {  	_ =	swait.ge [sflag:s22], $0x3C00  }
0x43: {  	s10 =	sshrl.u32 s20, $0x3;
	[sflag:s22] =	ssyncset.done $0x0  }
0x44: {  	s11 =	sadd.s32 $0x0, s15;
	s8 =	sadd.s32 s2, s10;
	[sflag:s22] =	ssyncadd.s32 $0xFFFFC400  }
0x45: {  	[tilespmem:s23], [sflag:$0x1] =	stream.linear.gather [hbm4b:s8+s5], $0x78, $0x38;
	[tilespmem:$0xAC00] =	vst v63  }
0x46: {  	s12 =	sadd.s32 $0xF00, s11  }
0x47: {  	[tilespmem:s24], [sflag:$0x1] =	stream.linear.gather [hbm4b:s12+s5], $0x3C00, $0x38;
	[tilespmem:$0xAC00] =	vst v63  }
0x48: {  	_ =	swait.ge [sflag:s30], $0x78  }
0x49: {  	[sflag:s30] =	ssyncset.done $0x0  }
0x4a: {  	[sflag:s30] =	ssyncadd.s32 $0xFFFFFF88  }
0x4b: {  	_ =	swait.ge [sflag:s30], $0x3C00  }
0x4c: {  	[sflag:s30] =	ssyncset.done $0x0  }
0x4d: {  	[sflag:s30] =	ssyncadd.s32 $0xFFFFC400  }
0x4e: {  	[spmem:s4] =	stream.indirect.scatter.add.f32 [tilespmem:s26], [sflag:$0x4], $0x80, s25, s29, $0xb8;
	[tilespmem:$0xAC00] =	vst v63  }
0x4f: {  	_ =	swait.ge [sflag:s22], $0x3C00  }
0x50: {  	s9 =	sadd.s32 $0x1E, s19;
	s11 =	sadd.s32 $0x1680, s11;
	[sflag:s22] =	ssyncset.done $0x0  }
0x51: {  	s10 =	sadd.s32 $0xF0, s20;
	s8 =	simm.s32 $0xF00;
	[sflag:s22] =	ssyncadd.s32 $0xFFFFC400  }
0x52: {  	[tilespmem:s25], [sflag:$0x2] =	stream.linear.gather [hbm4b:s19+s5], $0x78, $0x38;
	[tilespmem:$0xAC00] =	vst v63  }
.LBB2_4:
0x53: {  	[tilespmem:s26], [sflag:$0x2] =	stream.linear.gather [hbm4b:s11+s5], $0x3C00, $0x38;
	[tilespmem:$0xAC00] =	vst v63  }
0x54: {  	s11 =	smov.u32 s8  }
0x55: {  	p1 =	sne.s32 s8, $0xA500;
	s8 =	sadd.s32 $0xF00, s8;
	_ =	swait.ge [sflag:s28], $0x78  }
0x56: {  	[sflag:s28] =	ssyncset.done $0x0  }
0x57: {  	[sflag:s28] =	ssyncadd.s32 $0xFFFFFF88  }
0x58: {  	_ =	swait.ge [sflag:s28], $0x3C00  }
0x59: {  	[sflag:s28] =	ssyncset.done $0x0  }
0x5a: {  	[sflag:s28] =	ssyncadd.s32 $0xFFFFC400  }
0x5b: {  	[spmem:s4] =	stream.indirect.scatter.add.f32 [tilespmem:s24], [sflag:$0x4], $0x80, s23, s29, $0xb8;
	[tilespmem:$0xAC00] =	vst v63  }
0x5c: {  	_ =	swait.ge [sflag:s22], $0x3C00  }
0x5d: {  	s12 =	sshrl.u32 s10, $0x3;
	[sflag:s22] =	ssyncset.done $0x0  }
0x5e: {  	s12 =	sadd.s32 s2, s12;
	s11 =	sadd.s32 s11, s15;
	[sflag:s22] =	ssyncadd.s32 $0xFFFFC400  }
0x5f: {  	[tilespmem:s23], [sflag:$0x1] =	stream.linear.gather [hbm4b:s12+s5], $0x78, $0x38;
	[tilespmem:$0xAC00] =	vst v63  }
0x60: {  	s12 =	sadd.s32 $0xF00, s11  }
0x61: {  	[tilespmem:s24], [sflag:$0x1] =	stream.linear.gather [hbm4b:s12+s5], $0x3C00, $0x38;
	[tilespmem:$0xAC00] =	vst v63  }
0x62: {  	_ =	swait.ge [sflag:s30], $0x78  }
0x63: {  	[sflag:s30] =	ssyncset.done $0x0  }
0x64: {  	[sflag:s30] =	ssyncadd.s32 $0xFFFFFF88  }
0x65: {  	_ =	swait.ge [sflag:s30], $0x3C00  }
0x66: {  	[sflag:s30] =	ssyncset.done $0x0  }
0x67: {  	[sflag:s30] =	ssyncadd.s32 $0xFFFFC400  }
0x68: {  	[spmem:s4] =	stream.indirect.scatter.add.f32 [tilespmem:s26], [sflag:$0x4], $0x80, s25, s29, $0xb8;
	[tilespmem:$0xAC00] =	vst v63  }
.Ltmp1:
0x69: {  	_ =	swait.ge [sflag:s22], $0x3C00;
	(pc) =	sbr.rel @p1 .LBB2_4-.Ltmp1, $4  }
0x6a: {  	[sflag:s22] =	ssyncset.done $0x0  }
0x6b: {  	[sflag:s22] =	ssyncadd.s32 $0xFFFFC400  }
0x6c: {  	[tilespmem:s25], [sflag:$0x2] =	stream.linear.gather [hbm4b:s9+s5], $0x78, $0x38;
	[tilespmem:$0xAC00] =	vst v63  }
0x6d: {  	s10 =	sadd.s32 $0xF0, s10;
	s11 =	sadd.s32 $0x1680, s11;
	s9 =	sadd.s32 $0x1E, s9  }
0x6e: {  	[tilespmem:s26], [sflag:$0x2] =	stream.linear.gather [hbm4b:s11+s5], $0x3C00, $0x38;
	[tilespmem:$0xAC00] =	vst v63  }
0x6f: {  	_ =	swait.ge [sflag:s28], $0x78  }
0x70: {  	[sflag:s28] =	ssyncset.done $0x0  }
0x71: {  	[sflag:s28] =	ssyncadd.s32 $0xFFFFFF88  }
0x72: {  	_ =	swait.ge [sflag:s28], $0x3C00  }
0x73: {  	[sflag:s28] =	ssyncset.done $0x0  }
0x74: {  	[sflag:s28] =	ssyncadd.s32 $0xFFFFC400  }
0x75: {  	[spmem:s4] =	stream.indirect.scatter.add.f32 [tilespmem:s24], [sflag:$0x4], $0x80, s23, s29, $0xb8;
	[tilespmem:$0xAC00] =	vst v63  }
0x76: {  	_ =	swait.ge [sflag:s22], $0x3C00  }
0x77: {  	[sflag:s22] =	ssyncset.done $0x0  }
0x78: {  	[sflag:s22] =	ssyncadd.s32 $0xFFFFC400  }
0x79: {  	_ =	swait.ge [sflag:s30], $0x78  }
0x7a: {  	[sflag:s30] =	ssyncset.done $0x0  }
0x7b: {  	[sflag:s30] =	ssyncadd.s32 $0xFFFFFF88  }
0x7c: {  	_ =	swait.ge [sflag:s30], $0x3C00  }
0x7d: {  	[sflag:s30] =	ssyncset.done $0x0  }
0x7e: {  	[sflag:s30] =	ssyncadd.s32 $0xFFFFC400  }
0x7f: {  	[spmem:s4] =	stream.indirect.scatter.add.f32 [tilespmem:s26], [sflag:$0x4], $0x80, s25, s29, $0xb8;
	[tilespmem:$0xAC00] =	vst v63  }
0x80: {  	_ =	swait.ge [sflag:s22], $0x3C00  }
0x81: {  	s8 =	simm.s32 @!p0 $0x0;
	[sflag:s22] =	ssyncset.done $0x0  }
0x82: {  	s9 =	simm.s32 @!p0 $0x8900;
	s10 =	rddreg [dreg:$0xb];
	[sflag:s22] =	ssyncadd.s32 $0xFFFFC400  }
0x83: {  	[tilespmem:s9], [sflag:$0x4] =	stream.linear.gather @!p0 [hbm4b:s10+s8], $0x8, $0x38;
	[tilespmem:$0xAC00] =	vst v63  }
0x84: {  	s10 =	simm.s32 @!p0 $0x4  }
0x85: {  	_ =	swait.ge @!p0 [sflag:s10], $0x8  }
0x86: {  	[sflag:s10] =	ssyncset.done @!p0 $0x0  }
0x87: {  	s11 =	simm.s32 @!p0 $0x1000;
	[sflag:s10] =	ssyncadd.s32 @!p0 $0xFFFFFFF8  }
0x88: {  	[tilespmem:s11], [sflag:$0x4] =	stream.linear.gather @!p0 [hbm4b:s13+s8], $0x400, $0x38;
	[tilespmem:$0xAC00] =	vst v63  }
0x89: {  	_ =	swait.ge @!p0 [sflag:s10], $0x400  }
0x8a: {  	[sflag:s10] =	ssyncset.done @!p0 $0x0  }
0x8b: {  	s8 =	simm.s32 @!p0 $0x8;
	[sflag:s10] =	ssyncadd.s32 @!p0 $0xFFFFFC00  }
0x8c: {  	[spmem:s4] =	stream.indirect.scatter.add.f32 @!p0 [tilespmem:s11], [sflag:$0x4], $0x80, s9, s8, $0xb8;
	[tilespmem:$0xAC00] =	vst v63  }
0x8d: {  	v5 =	vimm.s32 $0x0;
	v6 =	vimm.s32 $0x186A0;
	_ =	swait.ge @!p0 [sflag:s10], $0x400  }
0x8e: {  	v7 =	vadd.s32 v5, v6;
	[sflag:s10] =	ssyncset.done @!p0 $0x0  }
0x8f: {  	v11 =	vshra.s32 v7, $0x1;
	[sflag:s10] =	ssyncadd.s32 @!p0 $0xFFFFFC00  }
0x90: {  	[tilespmem:$0x99B0] =	vst v11  }
0x91: {  	[tilespmem:$0x99A0] =	vst v11  }
0x92: {  	[tilespmem:$0x9990] =	vst v11  }
0x93: {  	[tilespmem:$0x9980] =	vst v11  }
0x94: {  	[tilespmem:s3], [sflag:$0x3] =	stream.indirect.gather [hbm4b:s2+s31], $0x1, s0, s31, $0xb8;
	[tilespmem:$0xAC00] =	vst v63  }
0x95: {  	_ =	swait.ge [sflag:s1], $0x40  }
0x96: {  	[sflag:s1] =	ssyncset.done $0x0  }
0x97: {  	[sflag:s1] =	ssyncadd.s32 $0xFFFFFFC0  }
0x98: {  	v19 =	vld [tilespmem:$0x9A20]  }
0x99: {  	v10 =	vimm.s32 $0x186A0;
	v18 =	vld [tilespmem:$0x9A10]  }
0x9a: {  	v8 =	vimm.s32 $0x0;
	v12 =	vimm.s32 $0x186A0;
	v9 =	vimm.s32 $0x0;
	v17 =	vld [tilespmem:$0x9A30]  }
0x9b: {  	v14 =	vimm.s32 $0x186A0;
	v7 =	vimm.s32 $0x0;
	v13 =	vmovc v11;
	v15 =	vmovc v11;
	v16 =	vmov v11;
	s8 =	simm.s32 $0x10;
	v20 =	vld [tilespmem:$0x9A00]  }
.LBB2_6:
0x9c: {  	p1 =	sne.s32 s8, $0x1;
	s8 =	sadd.s32 $0xFFFFFFFF, s8;
	v21 =	vadd.s32 $0x1, v11;
	v22 =	vadd.s32 $0x1, v13  }
0x9d: {  	v23 =	vadd.s32 $0x1, v15;
	v24 =	vadd.s32 $0x1, v16;
	vm0 =	vlt.s32 v19, v2  }
0x9e: {  	vm1 =	vlt.s32 v18, v1;
	v5 =	vsel vm0, v21, v5;
	v6 =	vsel vm0, v6, v11  }
0x9f: {  	v7 =	vsel vm1, v24, v7;
	v10 =	vsel vm1, v10, v16;
	vm0 =	vlt.s32 v17, v3  }
0xa0: {  	vm1 =	vlt.s32 v20, v0;
	v8 =	vsel vm0, v22, v8;
	v12 =	vsel vm0, v12, v13  }
0xa1: {  	v11 =	vadd.s32 v5, v6;
	v13 =	vadd.s32 v8, v12;
	v9 =	vsel vm1, v23, v9  }
0xa2: {  	v16 =	vadd.s32 v7, v10;
	v14 =	vsel vm1, v14, v15;
	v13 =	vshra.s32 v13, $0x1  }
0xa3: {  	v11 =	vshra.s32 v11, $0x1;
	v16 =	vshra.s32 v16, $0x1;
	v15 =	vadd.s32 v9, v14;
	[tilespmem:$0x99B0] =	vst v13  }
0xa4: {  	[tilespmem:$0x99A0] =	vst v11  }
0xa5: {  	v15 =	vshra.s32 v15, $0x1;
	[tilespmem:$0x9990] =	vst v16  }
0xa6: {  	[tilespmem:$0x9980] =	vst v15  }
0xa7: {  	[tilespmem:s3], [sflag:$0x3] =	stream.indirect.gather [hbm4b:s2+s31], $0x1, s0, s31, $0xb8;
	[tilespmem:$0xAC00] =	vst v63  }
0xa8: {  	_ =	swait.ge [sflag:s1], $0x40  }
0xa9: {  	[sflag:s1] =	ssyncset.done $0x0  }
.Ltmp2:
0xaa: {  	[sflag:s1] =	ssyncadd.s32 $0xFFFFFFC0;
	(pc) =	sbr.rel @p1 .LBB2_6-.Ltmp2, $4  }
0xab: {  	v19 =	vld [tilespmem:$0x9A20]  }
0xac: {  	v18 =	vld [tilespmem:$0x9A10]  }
0xad: {  	v17 =	vld [tilespmem:$0x9A30]  }
0xae: {  	v20 =	vld [tilespmem:$0x9A00]  }
0xaf: {  	_ = 	snop  }
0xb0: {  	s8 =	simm.s32 $0xAB00  }
0xb1: {  	v6 =	vadd.s32 $0x1, v11;
	[tilespmem:s8], [sflag:$0x4] =	stream.linear.gather [hbm4b:s14+s5], $0x20, $0x38;
	[tilespmem:$0xAC00] =	vst v63  }
0xb2: {  	v10 =	vadd.s32 $0x1, v13;
	v59 =	vadd.s32 $0x1, v15;
	vm0 =	vlt.s32 v19, v2;
	_ =	swait.ge [sflag:s22], $0x20  }
0xb3: {  	v12 =	vadd.s32 $0x1, v16;
	v5 =	vsel vm0, v6, v5;
	[sflag:s22] =	ssyncset.done $0x0;
	vm1 =	vlt.s32 v20, v0  }
0xb4: {  	vm8 =	vlt.s32 v18, v1;
	vm9 =	vlt.s32 v17, v3;
	[sflag:s22] =	ssyncadd.s32 $0xFFFFFFE0;
	v6 =	vsel vm1, v59, v9  }
0xb5: {  	v7 =	vsel vm8, v12, v7;
	v8 =	vsel vm9, v10, v8;
	v60 =	vld [tilespmem:$0xAB00];
	v5 =	vsub.s32 v5, v6  }
0xb6: {  	v8 =	vsub.s32 v8, v7;
	vm10 =	vgt.s32 v5, $0x1  }
0xb7: {  	v62 =	vld [tilespmem:$0xAB10];
	vm11 =	vgt.s32 v8, $0x1;
	v5 =	vnsel vm10, $0x1, v5  }
0xb8: {  	v8 =	vnsel vm11, $0x1, v8;
	v61 =	vcvt.s32.f32 v5  }
0xb9: {  	v63 =	vcvt.s32.f32 v8;
	v5 =	vadd.s32 $0xFFFFFFFF, v5  }
0xba: {  	vm12 =	vlt.s32 v60, v5;
	(erf) = vrcp.f32 v61  }
0xbb: {  	v8 =	vadd.s32 $0xFFFFFFFF, v8;
	v5 =	vsel vm12, v60, v5;
	(erf) = vrcp.f32 v63  }
0xbc: {  	vm13 =	vlt.s32 v62, v8;
	v5 =	vadd.s32 v6, v5  }
0xbd: {  	v6 =	vsel vm13, v62, v8;
	vm14 =	vgt.s32 v5, $0x0  }
0xbe: {  	v6 =	vadd.s32 v7, v6;
	v5 =	vnsel vm14, $0x0, v5  }
0xbf: {  	vm15 =	vgt.s32 v6, $0x0;
	v5 =	vmin.u32 v5, $0x1869F  }
0xc0: {  	[tilespmem:$0x9A80] =	vst v5;
	v5 =	vnsel vm15, $0x0, v6  }
0xc1: {  	v5 =	vmin.u32 v5, $0x1869F;
	_ =	sdelay $0x1  }
0xc2: {  	[tilespmem:$0x9A90] =	vst v5;
	v7 =	vpop (erf)  }
0xc3: {  	[tilespmem:$0xAB80] =	vst v7;
	v5 =	vpop (erf)  }
0xc4: {  	s9 =	simm.s32 $0x20;
	s10 =	simm.s32 $0x9A80;
	s12 =	rddreg [dreg:$0x0];
	[tilespmem:$0xAB90] =	vst v5  }
0xc5: {  	[tilespmem:s21], [sflag:$0x3] =	stream.indirect.gather [hbm4b:s12+s9], $0x80, s10, s9, $0xb8;
	[tilespmem:$0xAC00] =	vst v63  }
0xc6: {  	_ =	swait.ge [sflag:s1], $0x1000  }
0xc7: {  	[sflag:s1] =	ssyncset.done $0x0  }
0xc8: {  	[sflag:s1] =	ssyncadd.s32 $0xFFFFF000  }
0xc9: {  	[hbm4b:s16+s5] =	stream.linear.scatter [tilespmem:s21], [sflag:$0x4], $0x1000, $0x38;
	[tilespmem:$0xAC00] =	vst v63  }
0xca: {  	_ =	swait.ge [sflag:s22], $0x1000  }
0xcb: {  	[sflag:s22] =	ssyncset.done $0x0  }
0xcc: {  	s12 =	simm.s32 $0xAB80;
	s11 =	rddreg [dreg:$0xa];
	[sflag:s22] =	ssyncadd.s32 $0xFFFFF000  }
0xcd: {  	[hbm4b:s11+s5] =	stream.linear.scatter [tilespmem:s12], [sflag:$0x4], $0x20, $0x38;
	[tilespmem:$0xAC00] =	vst v63  }
0xce: {  	_ =	swait.ge [sflag:s22], $0x20  }
0xcf: {  	[sflag:s22] =	ssyncset.done $0x0  }
0xd0: {  	[sflag:s22] =	ssyncadd.s32 $0xFFFFFFE0  }
0xd1: {  	[bflag:$0x0] =	sbarrier.arrive $0xFFFF  }
0xd2: {  	[tilespmem:s24], [sflag:$0x4] =	stream.linear.gather [spmem:s6], $0x1000, $0x38;
	[tilespmem:$0xAC00] =	vst v63  }
0xd3: {  	s7 =	sadd.s32 $0x1, s7;
	_ =	swait.ge [sflag:s22], $0x1000  }
0xd4: {  	p1 =	sne.s32 s7, s18;
	[sflag:s22] =	ssyncset.done $0x0  }
.Ltmp3:
0xd5: {  	[sflag:s22] =	ssyncadd.s32 $0xFFFFF000;
	(pc) =	sbr.rel @p1 .LBB2_1-.Ltmp3, $4  }
0xd6: {  	[hbm4b:s17+s5] =	stream.linear.scatter [tilespmem:s24], [sflag:$0x4], $0x1000, $0x38;
	[tilespmem:$0xAC00] =	vst v63  }
0xd7: {  	_ =	swait.ge [sflag:s22], $0x1000  }
0xd8: {  	[sflag:s22] =	ssyncset.done $0x0  }
0xd9: {  	[sflag:s22] =	ssyncadd.s32 $0xFFFFF000  }
0xda: {  	_ =	sfence.sel $0x180000  }
0xdb: {  	[bflag:$0x0] =	sbarrier.arrive $0xFFFF  }
0xdc: {  	_ =	strace $0x90000047  }
0xdd: {  	s0 =	stileid.u32;
	[bflag:$0x2] =	sbarrier.arrive $0xFFFF  }
0xde: {  	p0 =	sne.s32 s0, $0x0;
	s0 =	rddreg [dreg:$0x5]  }
0xdf: {  	s0 =	sadd.s32 @!p0 $0x100000, s0  }
0xe0: {  	[sflag:s0] =	ssyncadd.tile.s32 @!p0 $0x1;
	_ =	shalt  }
.Lfunc_end2:
_tile_overlayer_lowered:
.L_overlay_start_2:
0xe1: {  	(tag) =	ssettag $0x2  }
0xe2: {  	s0 =	rddreg [dreg:$0x0];
	s2 =	stileid.u32  }
0xe3: {  	s1 =	rddreg [dreg:$0x1];
	p0 =	sne.s32 s2, $0x0  }
0xe4: {  	s3 =	rddreg [dreg:$0x2];
	[bflag:$0x3] =	sbarrier.arrive $0xFFFF;
	s2 =	simm.s32 @!p0 $0x1C04  }
0xe5: {  	[timem:s3], [sflag:s2] =	dma.local @!p0 [hbm:s0], s1  }
0xe6: {  	s0 =	simm.s32 @!p0 $0x4  }
0xe7: {  	_ =	swait.ge @!p0 [sflag:s0], s1  }
0xe8: {  	s1 =	ssub.s32 @!p0 $0x0, s1;
	[sflag:s0] =	ssyncset.done @!p0 $0x0  }
0xe9: {  	[sflag:s0] =	ssyncadd.s32 @!p0 s1  }
0xea: {  	[bflag:$0x3] =	sbarrier.arrive $0xFFFF  }
0xeb: {  	_ =	shalt  }

</sc_bundles>
